<compile_context>
chip_gen: v7x
topology: tpu7x:2x2x1
jax: 0.10.2.dev20260603
libtpu: 0.0.44.dev20260713+nightly
codegen_flags: <defaults>
</compile_context>

<pallas_src>
import functools

import jax
import jax.numpy as jnp
from jax import lax
from jax.experimental import pallas as pl
from jax.experimental.pallas import tpu as pltpu
from jax.experimental.pallas import tpu_sc as plsc

B = 16384
EMB = 32
NC = 2
NS = 16
NW = NC * NS
BW = B // NW
L = 16
CH = 128
NCH = BW // CH


def _mf_body(uid_hbm, iid_hbm, ue_hbm, ie_hbm, ub_hbm, ib_hbm, gb_hbm,
             out_hbm,
             u128_v, i128_v, ue_v, ie_v, ub_v, ib_v, gb_v, out_v, sem):
    wid = lax.axis_index("s") * NC + lax.axis_index("c")
    base = wid * BW

    for c in range(NCH):
        pltpu.sync_copy(uid_hbm.at[pl.ds(base + c * CH, CH)], u128_v.at[c])
        pltpu.sync_copy(iid_hbm.at[pl.ds(base + c * CH, CH)], i128_v.at[c])
    pltpu.sync_copy(gb_hbm, gb_v)

    for c in range(NCH):
        rows = pl.ds(c * CH, CH)
        pltpu.async_copy(ue_hbm.at[u128_v.at[c]], ue_v.at[rows], sem)
        pltpu.async_copy(ie_hbm.at[i128_v.at[c]], ie_v.at[rows], sem)
        pltpu.async_copy(ub_hbm.at[u128_v.at[c]], ub_v.at[rows], sem)
        pltpu.async_copy(ib_hbm.at[i128_v.at[c]], ib_v.at[rows], sem)

    pltpu.make_async_copy(out_hbm.at[pl.ds(0, BW)], ub_v, sem).wait()
    pltpu.make_async_copy(out_hbm.at[pl.ds(0, BW)], ib_v, sem).wait()
    for c in range(NCH):
        rows = pl.ds(c * CH, CH)
        pltpu.make_async_copy(ue_hbm.at[pl.ds(0, CH)], ue_v.at[rows], sem).wait()
        pltpu.make_async_copy(ie_hbm.at[pl.ds(0, CH)], ie_v.at[rows], sem).wait()

    gb = gb_v[pl.ds(0, L)]
    iota = lax.iota(jnp.int32, L)

    def group(g, _):
        o = pl.ds(g * L, L)
        rows = g * L + iota
        acc = gb + ub_v[o] + ib_v[o]
        for j in range(EMB):
            cols = jnp.full((L,), j, jnp.int32)
            u = plsc.load_gather(ue_v, [rows, cols])
            i = plsc.load_gather(ie_v, [rows, cols])
            acc = acc + u * i
        out_v[o] = acc
        return 0

    lax.fori_loop(0, BW // L, group, 0)
    pltpu.sync_copy(out_v, out_hbm.at[pl.ds(base, BW)])


@functools.partial(jax.jit, static_argnames=())
def kernel(user_id, item_id, user_embedding, item_embedding, user_bias,
           item_bias, global_bias):
    uid = user_id.astype(jnp.int32)
    iid = item_id.astype(jnp.int32)
    ub_lin = user_bias.reshape(-1)
    ib_lin = item_bias.reshape(-1)
    gb128 = jnp.broadcast_to(global_bias, (128,)).astype(jnp.float32)

    run = pl.kernel(
        _mf_body,
        out_type=jax.ShapeDtypeStruct((B,), jnp.float32),
        mesh=plsc.VectorSubcoreMesh(
            core_axis_name="c", subcore_axis_name="s",
            num_cores=NC, num_subcores=NS),
        scratch_types=[
            pltpu.VMEM((NCH, CH), jnp.int32),
            pltpu.VMEM((NCH, CH), jnp.int32),
            pltpu.VMEM((BW, EMB), jnp.float32),
            pltpu.VMEM((BW, EMB), jnp.float32),
            pltpu.VMEM((BW,), jnp.float32),
            pltpu.VMEM((BW,), jnp.float32),
            pltpu.VMEM((128,), jnp.float32),
            pltpu.VMEM((BW,), jnp.float32),
            pltpu.SemaphoreType.DMA,
        ],
        compiler_params=pltpu.CompilerParams(
            needs_layout_passes=False, use_tc_tiling_on_sc=False),
    )
    return run(uid, iid, user_embedding, item_embedding, ub_lin, ib_lin,
               gb128)

# --- scband reference (transcript-rebuilt; emitter-appended) ---
"""Pipeline reference for scband-mf-8693013807125 (READ-ONLY COPY).

The authoritative reference and input builder live on the scoring server;
editing this copy changes nothing except your own understanding.
"""

import jax, jax.numpy as jnp
import numpy as np

NUM_USERS = 1000000
NUM_ITEMS = 1000000
EMB = 32
B = 16384


def setup_inputs(seed: int = 0) -> dict:
    key = jax.random.key(seed)
    k1, k2, k3, k4, k5, k6 = jax.random.split(key, 6)
    user_id = jax.random.randint(k1, (B,), 0, NUM_USERS)
    item_id = jax.random.randint(k2, (B,), 0, NUM_ITEMS)
    user_embedding = jax.random.normal(k3, (NUM_USERS, EMB), dtype=jnp.float32) * 0.02
    item_embedding = jax.random.normal(k4, (NUM_ITEMS, EMB), dtype=jnp.float32) * 0.02
    user_bias = jax.random.normal(k5, (NUM_USERS, 1), dtype=jnp.float32) * 0.02
    item_bias = jax.random.normal(k6, (NUM_ITEMS, 1), dtype=jnp.float32) * 0.02
    global_bias = jnp.zeros((1,), dtype=jnp.float32)
    return {
        "user_id": user_id,
        "item_id": item_id,
        "user_embedding": user_embedding,
        "item_embedding": item_embedding,
        "user_bias": user_bias,
        "item_bias": item_bias,
        "global_bias": global_bias,
    }


def reference(user_id, item_id, user_embedding, item_embedding, user_bias, item_bias, global_bias):
    ue = jnp.take(user_embedding, user_id, axis=0)          # [B, EMB]
    ie = jnp.take(item_embedding, item_id, axis=0)          # [B, EMB]
    ub = jnp.take(user_bias, user_id, axis=0).squeeze(-1)   # [B]
    ib = jnp.take(item_bias, item_id, axis=0).squeeze(-1)   # [B]
    dot = jnp.sum(ue * ie, axis=1)                          # [B]
    prediction = global_bias + ub + ib + dot                # [B]
    return prediction

if __name__ == "__main__":
    import jax
    _d = setup_inputs()
    print(jax.jit(kernel)(*tuple(_d.values())))

</pallas_src>

<mosaic_0001>
#map = affine_map<(d0, d1) -> (0)>
#map1 = affine_map<(d0, d1) -> (0, 0)>
module attributes {stable_mosaic.version = 14 : i64} {
  func.func @_mf_body(%arg0: i32, %arg1: i32, %arg2: memref<16384xi32, #tpu.memory_space<hbm>>, %arg3: memref<16384xi32, #tpu.memory_space<hbm>>, %arg4: memref<1000000x32xf32, #tpu.memory_space<hbm>>, %arg5: memref<1000000x32xf32, #tpu.memory_space<hbm>>, %arg6: memref<1000000xf32, #tpu.memory_space<hbm>>, %arg7: memref<1000000xf32, #tpu.memory_space<hbm>>, %arg8: memref<128xf32, #tpu.memory_space<hbm>>, %arg9: memref<16384xf32, #tpu.memory_space<hbm>>, %arg10: memref<4x128xi32, #tpu.memory_space<vmem>>, %arg11: memref<4x128xi32, #tpu.memory_space<vmem>>, %arg12: memref<512x32xf32, #tpu.memory_space<vmem>>, %arg13: memref<512x32xf32, #tpu.memory_space<vmem>>, %arg14: memref<512xf32, #tpu.memory_space<vmem>>, %arg15: memref<512xf32, #tpu.memory_space<vmem>>, %arg16: memref<128xf32, #tpu.memory_space<vmem>>, %arg17: memref<512xf32, #tpu.memory_space<vmem>>, %arg18: memref<!tpu.dma_semaphore, #tpu.memory_space<semaphore_mem>>) attributes {dimension_semantics = [#tpu.dimension_semantics<core_parallel>, #tpu.dimension_semantics<subcore_parallel>], iteration_bounds = array<i64: 2, 16>, scalar_prefetch = 0 : i64, scratch_operands = 9 : i64, tpu.core_type = #tpu.core_type<sc_vector_subcore>, window_params = [{transform_indices = #map}, {transform_indices = #map}, {transform_indices = #map1}, {transform_indices = #map1}, {transform_indices = #map}, {transform_indices = #map}, {transform_indices = #map}, {transform_indices = #map}]} {
    %mul3A = arith.constant 2 : i32
    %mul3A_0 = arith.muli %arg1, %mul3A : i32
    %add3A = arith.addi %mul3A_0, %arg0 : i32
    %mul3A_1 = arith.constant 512 : i32
    %mul3A_2 = arith.muli %add3A, %mul3A_1 : i32
    %add3A_3 = arith.constant 0 : i32
    %add3A_4 = arith.addi %mul3A_2, %add3A_3 : i32
    %run_scoped3A = arith.constant 0 : i32
    "tpu.region"() ({
      %run_scoped3A_279 = tpu.sem_alloc : memref<!tpu.dma_semaphore, #tpu.memory_space<semaphore_mem>>
      %dma_start3A_280 = arith.constant 0 : i32
      %dma_start3A_281 = tpu.memref_slice %arg10[%run_scoped3A, %dma_start3A_280] : memref<4x128xi32, #tpu.memory_space<vmem>> -> memref<1x128xi32, #tpu.memory_space<vmem>>
      %dma_start3A_282 = tpu.memref_squeeze %dma_start3A_281 : memref<1x128xi32, #tpu.memory_space<vmem>> -> memref<128xi32, #tpu.memory_space<vmem>>
      %dma_start3A_283 = tpu.memref_slice %arg2[%add3A_4] : memref<16384xi32, #tpu.memory_space<hbm>> -> memref<128xi32, #tpu.memory_space<hbm>>
      %dma_start3A_284 = arith.constant 0 : i32
      %dma_start3A_285 = tpu.memref_slice %arg10[%run_scoped3A, %dma_start3A_284] : memref<4x128xi32, #tpu.memory_space<vmem>> -> memref<1x128xi32, #tpu.memory_space<vmem>>
      %dma_start3A_286 = tpu.memref_squeeze %dma_start3A_285 : memref<1x128xi32, #tpu.memory_space<vmem>> -> memref<128xi32, #tpu.memory_space<vmem>>
      %dma_start3A_287 = tpu.memref_slice %arg2[%add3A_4] : memref<16384xi32, #tpu.memory_space<hbm>> -> memref<128xi32, #tpu.memory_space<hbm>>
      tpu.enqueue_dma source(%dma_start3A_287 : memref<128xi32, #tpu.memory_space<hbm>>) target(%dma_start3A_286 : memref<128xi32, #tpu.memory_space<vmem>>) target_semaphore(%run_scoped3A_279 : memref<!tpu.dma_semaphore, #tpu.memory_space<semaphore_mem>>)
      %dma_wait3A_288 = arith.constant 0 : i32
      %dma_wait3A_289 = tpu.memref_slice %arg10[%run_scoped3A, %dma_wait3A_288] : memref<4x128xi32, #tpu.memory_space<vmem>> -> memref<1x128xi32, #tpu.memory_space<vmem>>
      %dma_wait3A_290 = tpu.memref_squeeze %dma_wait3A_289 : memref<1x128xi32, #tpu.memory_space<vmem>> -> memref<128xi32, #tpu.memory_space<vmem>>
      %dma_wait3A_291 = tpu.memref_slice %arg2[%add3A_4] : memref<16384xi32, #tpu.memory_space<hbm>> -> memref<128xi32, #tpu.memory_space<hbm>>
      %dma_wait3A_292 = arith.constant 0 : i32
      %dma_wait3A_293 = tpu.memref_slice %arg10[%run_scoped3A, %dma_wait3A_292] : memref<4x128xi32, #tpu.memory_space<vmem>> -> memref<1x128xi32, #tpu.memory_space<vmem>>
      %dma_wait3A_294 = tpu.memref_squeeze %dma_wait3A_293 : memref<1x128xi32, #tpu.memory_space<vmem>> -> memref<128xi32, #tpu.memory_space<vmem>>
      %dma_wait3A_295 = tpu.memref_slice %arg2[%add3A_4] : memref<16384xi32, #tpu.memory_space<hbm>> -> memref<128xi32, #tpu.memory_space<hbm>>
      tpu.wait_dma2 semaphore(%run_scoped3A_279 : memref<!tpu.dma_semaphore, #tpu.memory_space<semaphore_mem>>) src(%dma_wait3A_295 : memref<128xi32, #tpu.memory_space<hbm>>) dst(%dma_wait3A_294 : memref<128xi32, #tpu.memory_space<vmem>>)
      tpu.yield
    }) : () -> ()
    %add3A_5 = arith.constant 0 : i32
    %add3A_6 = arith.addi %mul3A_2, %add3A_5 : i32
    %run_scoped3A_7 = arith.constant 0 : i32
    "tpu.region"() ({
      %run_scoped3A_279 = tpu.sem_alloc : memref<!tpu.dma_semaphore, #tpu.memory_space<semaphore_mem>>
      %dma_start3A_280 = arith.constant 0 : i32
      %dma_start3A_281 = tpu.memref_slice %arg11[%run_scoped3A_7, %dma_start3A_280] : memref<4x128xi32, #tpu.memory_space<vmem>> -> memref<1x128xi32, #tpu.memory_space<vmem>>
      %dma_start3A_282 = tpu.memref_squeeze %dma_start3A_281 : memref<1x128xi32, #tpu.memory_space<vmem>> -> memref<128xi32, #tpu.memory_space<vmem>>
      %dma_start3A_283 = tpu.memref_slice %arg3[%add3A_6] : memref<16384xi32, #tpu.memory_space<hbm>> -> memref<128xi32, #tpu.memory_space<hbm>>
      %dma_start3A_284 = arith.constant 0 : i32
      %dma_start3A_285 = tpu.memref_slice %arg11[%run_scoped3A_7, %dma_start3A_284] : memref<4x128xi32, #tpu.memory_space<vmem>> -> memref<1x128xi32, #tpu.memory_space<vmem>>
      %dma_start3A_286 = tpu.memref_squeeze %dma_start3A_285 : memref<1x128xi32, #tpu.memory_space<vmem>> -> memref<128xi32, #tpu.memory_space<vmem>>
      %dma_start3A_287 = tpu.memref_slice %arg3[%add3A_6] : memref<16384xi32, #tpu.memory_space<hbm>> -> memref<128xi32, #tpu.memory_space<hbm>>
      tpu.enqueue_dma source(%dma_start3A_287 : memref<128xi32, #tpu.memory_space<hbm>>) target(%dma_start3A_286 : memref<128xi32, #tpu.memory_space<vmem>>) target_semaphore(%run_scoped3A_279 : memref<!tpu.dma_semaphore, #tpu.memory_space<semaphore_mem>>)
      %dma_wait3A_288 = arith.constant 0 : i32
      %dma_wait3A_289 = tpu.memref_slice %arg11[%run_scoped3A_7, %dma_wait3A_288] : memref<4x128xi32, #tpu.memory_space<vmem>> -> memref<1x128xi32, #tpu.memory_space<vmem>>
      %dma_wait3A_290 = tpu.memref_squeeze %dma_wait3A_289 : memref<1x128xi32, #tpu.memory_space<vmem>> -> memref<128xi32, #tpu.memory_space<vmem>>
      %dma_wait3A_291 = tpu.memref_slice %arg3[%add3A_6] : memref<16384xi32, #tpu.memory_space<hbm>> -> memref<128xi32, #tpu.memory_space<hbm>>
      %dma_wait3A_292 = arith.constant 0 : i32
      %dma_wait3A_293 = tpu.memref_slice %arg11[%run_scoped3A_7, %dma_wait3A_292] : memref<4x128xi32, #tpu.memory_space<vmem>> -> memref<1x128xi32, #tpu.memory_space<vmem>>
      %dma_wait3A_294 = tpu.memref_squeeze %dma_wait3A_293 : memref<1x128xi32, #tpu.memory_space<vmem>> -> memref<128xi32, #tpu.memory_space<vmem>>
      %dma_wait3A_295 = tpu.memref_slice %arg3[%add3A_6] : memref<16384xi32, #tpu.memory_space<hbm>> -> memref<128xi32, #tpu.memory_space<hbm>>
      tpu.wait_dma2 semaphore(%run_scoped3A_279 : memref<!tpu.dma_semaphore, #tpu.memory_space<semaphore_mem>>) src(%dma_wait3A_295 : memref<128xi32, #tpu.memory_space<hbm>>) dst(%dma_wait3A_294 : memref<128xi32, #tpu.memory_space<vmem>>)
      tpu.yield
    }) : () -> ()
    %add3A_8 = arith.constant 128 : i32
    %add3A_9 = arith.addi %mul3A_2, %add3A_8 : i32
    %run_scoped3A_10 = arith.constant 1 : i32
    "tpu.region"() ({
      %run_scoped3A_279 = tpu.sem_alloc : memref<!tpu.dma_semaphore, #tpu.memory_space<semaphore_mem>>
      %dma_start3A_280 = arith.constant 0 : i32
      %dma_start3A_281 = tpu.memref_slice %arg10[%run_scoped3A_10, %dma_start3A_280] : memref<4x128xi32, #tpu.memory_space<vmem>> -> memref<1x128xi32, #tpu.memory_space<vmem>>
      %dma_start3A_282 = tpu.memref_squeeze %dma_start3A_281 : memref<1x128xi32, #tpu.memory_space<vmem>> -> memref<128xi32, #tpu.memory_space<vmem>>
      %dma_start3A_283 = tpu.memref_slice %arg2[%add3A_9] : memref<16384xi32, #tpu.memory_space<hbm>> -> memref<128xi32, #tpu.memory_space<hbm>>
      %dma_start3A_284 = arith.constant 0 : i32
      %dma_start3A_285 = tpu.memref_slice %arg10[%run_scoped3A_10, %dma_start3A_284] : memref<4x128xi32, #tpu.memory_space<vmem>> -> memref<1x128xi32, #tpu.memory_space<vmem>>
      %dma_start3A_286 = tpu.memref_squeeze %dma_start3A_285 : memref<1x128xi32, #tpu.memory_space<vmem>> -> memref<128xi32, #tpu.memory_space<vmem>>
      %dma_start3A_287 = tpu.memref_slice %arg2[%add3A_9] : memref<16384xi32, #tpu.memory_space<hbm>> -> memref<128xi32, #tpu.memory_space<hbm>>
      tpu.enqueue_dma source(%dma_start3A_287 : memref<128xi32, #tpu.memory_space<hbm>>) target(%dma_start3A_286 : memref<128xi32, #tpu.memory_space<vmem>>) target_semaphore(%run_scoped3A_279 : memref<!tpu.dma_semaphore, #tpu.memory_space<semaphore_mem>>)
      %dma_wait3A_288 = arith.constant 0 : i32
      %dma_wait3A_289 = tpu.memref_slice %arg10[%run_scoped3A_10, %dma_wait3A_288] : memref<4x128xi32, #tpu.memory_space<vmem>> -> memref<1x128xi32, #tpu.memory_space<vmem>>
      %dma_wait3A_290 = tpu.memref_squeeze %dma_wait3A_289 : memref<1x128xi32, #tpu.memory_space<vmem>> -> memref<128xi32, #tpu.memory_space<vmem>>
      %dma_wait3A_291 = tpu.memref_slice %arg2[%add3A_9] : memref<16384xi32, #tpu.memory_space<hbm>> -> memref<128xi32, #tpu.memory_space<hbm>>
      %dma_wait3A_292 = arith.constant 0 : i32
      %dma_wait3A_293 = tpu.memref_slice %arg10[%run_scoped3A_10, %dma_wait3A_292] : memref<4x128xi32, #tpu.memory_space<vmem>> -> memref<1x128xi32, #tpu.memory_space<vmem>>
      %dma_wait3A_294 = tpu.memref_squeeze %dma_wait3A_293 : memref<1x128xi32, #tpu.memory_space<vmem>> -> memref<128xi32, #tpu.memory_space<vmem>>
      %dma_wait3A_295 = tpu.memref_slice %arg2[%add3A_9] : memref<16384xi32, #tpu.memory_space<hbm>> -> memref<128xi32, #tpu.memory_space<hbm>>
      tpu.wait_dma2 semaphore(%run_scoped3A_279 : memref<!tpu.dma_semaphore, #tpu.memory_space<semaphore_mem>>) src(%dma_wait3A_295 : memref<128xi32, #tpu.memory_space<hbm>>) dst(%dma_wait3A_294 : memref<128xi32, #tpu.memory_space<vmem>>)
      tpu.yield
    }) : () -> ()
    %add3A_11 = arith.constant 128 : i32
    %add3A_12 = arith.addi %mul3A_2, %add3A_11 : i32
    %run_scoped3A_13 = arith.constant 1 : i32
    "tpu.region"() ({
      %run_scoped3A_279 = tpu.sem_alloc : memref<!tpu.dma_semaphore, #tpu.memory_space<semaphore_mem>>
      %dma_start3A_280 = arith.constant 0 : i32
      %dma_start3A_281 = tpu.memref_slice %arg11[%run_scoped3A_13, %dma_start3A_280] : memref<4x128xi32, #tpu.memory_space<vmem>> -> memref<1x128xi32, #tpu.memory_space<vmem>>
      %dma_start3A_282 = tpu.memref_squeeze %dma_start3A_281 : memref<1x128xi32, #tpu.memory_space<vmem>> -> memref<128xi32, #tpu.memory_space<vmem>>
      %dma_start3A_283 = tpu.memref_slice %arg3[%add3A_12] : memref<16384xi32, #tpu.memory_space<hbm>> -> memref<128xi32, #tpu.memory_space<hbm>>
      %dma_start3A_284 = arith.constant 0 : i32
      %dma_start3A_285 = tpu.memref_slice %arg11[%run_scoped3A_13, %dma_start3A_284] : memref<4x128xi32, #tpu.memory_space<vmem>> -> memref<1x128xi32, #tpu.memory_space<vmem>>
      %dma_start3A_286 = tpu.memref_squeeze %dma_start3A_285 : memref<1x128xi32, #tpu.memory_space<vmem>> -> memref<128xi32, #tpu.memory_space<vmem>>
      %dma_start3A_287 = tpu.memref_slice %arg3[%add3A_12] : memref<16384xi32, #tpu.memory_space<hbm>> -> memref<128xi32, #tpu.memory_space<hbm>>
      tpu.enqueue_dma source(%dma_start3A_287 : memref<128xi32, #tpu.memory_space<hbm>>) target(%dma_start3A_286 : memref<128xi32, #tpu.memory_space<vmem>>) target_semaphore(%run_scoped3A_279 : memref<!tpu.dma_semaphore, #tpu.memory_space<semaphore_mem>>)
      %dma_wait3A_288 = arith.constant 0 : i32
      %dma_wait3A_289 = tpu.memref_slice %arg11[%run_scoped3A_13, %dma_wait3A_288] : memref<4x128xi32, #tpu.memory_space<vmem>> -> memref<1x128xi32, #tpu.memory_space<vmem>>
      %dma_wait3A_290 = tpu.memref_squeeze %dma_wait3A_289 : memref<1x128xi32, #tpu.memory_space<vmem>> -> memref<128xi32, #tpu.memory_space<vmem>>
      %dma_wait3A_291 = tpu.memref_slice %arg3[%add3A_12] : memref<16384xi32, #tpu.memory_space<hbm>> -> memref<128xi32, #tpu.memory_space<hbm>>
      %dma_wait3A_292 = arith.constant 0 : i32
      %dma_wait3A_293 = tpu.memref_slice %arg11[%run_scoped3A_13, %dma_wait3A_292] : memref<4x128xi32, #tpu.memory_space<vmem>> -> memref<1x128xi32, #tpu.memory_space<vmem>>
      %dma_wait3A_294 = tpu.memref_squeeze %dma_wait3A_293 : memref<1x128xi32, #tpu.memory_space<vmem>> -> memref<128xi32, #tpu.memory_space<vmem>>
      %dma_wait3A_295 = tpu.memref_slice %arg3[%add3A_12] : memref<16384xi32, #tpu.memory_space<hbm>> -> memref<128xi32, #tpu.memory_space<hbm>>
      tpu.wait_dma2 semaphore(%run_scoped3A_279 : memref<!tpu.dma_semaphore, #tpu.memory_space<semaphore_mem>>) src(%dma_wait3A_295 : memref<128xi32, #tpu.memory_space<hbm>>) dst(%dma_wait3A_294 : memref<128xi32, #tpu.memory_space<vmem>>)
      tpu.yield
    }) : () -> ()
    %add3A_14 = arith.constant 256 : i32
    %add3A_15 = arith.addi %mul3A_2, %add3A_14 : i32
    %run_scoped3A_16 = arith.constant 2 : i32
    "tpu.region"() ({
      %run_scoped3A_279 = tpu.sem_alloc : memref<!tpu.dma_semaphore, #tpu.memory_space<semaphore_mem>>
      %dma_start3A_280 = arith.constant 0 : i32
      %dma_start3A_281 = tpu.memref_slice %arg10[%run_scoped3A_16, %dma_start3A_280] : memref<4x128xi32, #tpu.memory_space<vmem>> -> memref<1x128xi32, #tpu.memory_space<vmem>>
      %dma_start3A_282 = tpu.memref_squeeze %dma_start3A_281 : memref<1x128xi32, #tpu.memory_space<vmem>> -> memref<128xi32, #tpu.memory_space<vmem>>
      %dma_start3A_283 = tpu.memref_slice %arg2[%add3A_15] : memref<16384xi32, #tpu.memory_space<hbm>> -> memref<128xi32, #tpu.memory_space<hbm>>
      %dma_start3A_284 = arith.constant 0 : i32
      %dma_start3A_285 = tpu.memref_slice %arg10[%run_scoped3A_16, %dma_start3A_284] : memref<4x128xi32, #tpu.memory_space<vmem>> -> memref<1x128xi32, #tpu.memory_space<vmem>>
      %dma_start3A_286 = tpu.memref_squeeze %dma_start3A_285 : memref<1x128xi32, #tpu.memory_space<vmem>> -> memref<128xi32, #tpu.memory_space<vmem>>
      %dma_start3A_287 = tpu.memref_slice %arg2[%add3A_15] : memref<16384xi32, #tpu.memory_space<hbm>> -> memref<128xi32, #tpu.memory_space<hbm>>
      tpu.enqueue_dma source(%dma_start3A_287 : memref<128xi32, #tpu.memory_space<hbm>>) target(%dma_start3A_286 : memref<128xi32, #tpu.memory_space<vmem>>) target_semaphore(%run_scoped3A_279 : memref<!tpu.dma_semaphore, #tpu.memory_space<semaphore_mem>>)
      %dma_wait3A_288 = arith.constant 0 : i32
      %dma_wait3A_289 = tpu.memref_slice %arg10[%run_scoped3A_16, %dma_wait3A_288] : memref<4x128xi32, #tpu.memory_space<vmem>> -> memref<1x128xi32, #tpu.memory_space<vmem>>
      %dma_wait3A_290 = tpu.memref_squeeze %dma_wait3A_289 : memref<1x128xi32, #tpu.memory_space<vmem>> -> memref<128xi32, #tpu.memory_space<vmem>>
      %dma_wait3A_291 = tpu.memref_slice %arg2[%add3A_15] : memref<16384xi32, #tpu.memory_space<hbm>> -> memref<128xi32, #tpu.memory_space<hbm>>
      %dma_wait3A_292 = arith.constant 0 : i32
      %dma_wait3A_293 = tpu.memref_slice %arg10[%run_scoped3A_16, %dma_wait3A_292] : memref<4x128xi32, #tpu.memory_space<vmem>> -> memref<1x128xi32, #tpu.memory_space<vmem>>
      %dma_wait3A_294 = tpu.memref_squeeze %dma_wait3A_293 : memref<1x128xi32, #tpu.memory_space<vmem>> -> memref<128xi32, #tpu.memory_space<vmem>>
      %dma_wait3A_295 = tpu.memref_slice %arg2[%add3A_15] : memref<16384xi32, #tpu.memory_space<hbm>> -> memref<128xi32, #tpu.memory_space<hbm>>
      tpu.wait_dma2 semaphore(%run_scoped3A_279 : memref<!tpu.dma_semaphore, #tpu.memory_space<semaphore_mem>>) src(%dma_wait3A_295 : memref<128xi32, #tpu.memory_space<hbm>>) dst(%dma_wait3A_294 : memref<128xi32, #tpu.memory_space<vmem>>)
      tpu.yield
    }) : () -> ()
    %add3A_17 = arith.constant 256 : i32
    %add3A_18 = arith.addi %mul3A_2, %add3A_17 : i32
    %run_scoped3A_19 = arith.constant 2 : i32
    "tpu.region"() ({
      %run_scoped3A_279 = tpu.sem_alloc : memref<!tpu.dma_semaphore, #tpu.memory_space<semaphore_mem>>
      %dma_start3A_280 = arith.constant 0 : i32
      %dma_start3A_281 = tpu.memref_slice %arg11[%run_scoped3A_19, %dma_start3A_280] : memref<4x128xi32, #tpu.memory_space<vmem>> -> memref<1x128xi32, #tpu.memory_space<vmem>>
      %dma_start3A_282 = tpu.memref_squeeze %dma_start3A_281 : memref<1x128xi32, #tpu.memory_space<vmem>> -> memref<128xi32, #tpu.memory_space<vmem>>
      %dma_start3A_283 = tpu.memref_slice %arg3[%add3A_18] : memref<16384xi32, #tpu.memory_space<hbm>> -> memref<128xi32, #tpu.memory_space<hbm>>
      %dma_start3A_284 = arith.constant 0 : i32
      %dma_start3A_285 = tpu.memref_slice %arg11[%run_scoped3A_19, %dma_start3A_284] : memref<4x128xi32, #tpu.memory_space<vmem>> -> memref<1x128xi32, #tpu.memory_space<vmem>>
      %dma_start3A_286 = tpu.memref_squeeze %dma_start3A_285 : memref<1x128xi32, #tpu.memory_space<vmem>> -> memref<128xi32, #tpu.memory_space<vmem>>
      %dma_start3A_287 = tpu.memref_slice %arg3[%add3A_18] : memref<16384xi32, #tpu.memory_space<hbm>> -> memref<128xi32, #tpu.memory_space<hbm>>
      tpu.enqueue_dma source(%dma_start3A_287 : memref<128xi32, #tpu.memory_space<hbm>>) target(%dma_start3A_286 : memref<128xi32, #tpu.memory_space<vmem>>) target_semaphore(%run_scoped3A_279 : memref<!tpu.dma_semaphore, #tpu.memory_space<semaphore_mem>>)
      %dma_wait3A_288 = arith.constant 0 : i32
      %dma_wait3A_289 = tpu.memref_slice %arg11[%run_scoped3A_19, %dma_wait3A_288] : memref<4x128xi32, #tpu.memory_space<vmem>> -> memref<1x128xi32, #tpu.memory_space<vmem>>
      %dma_wait3A_290 = tpu.memref_squeeze %dma_wait3A_289 : memref<1x128xi32, #tpu.memory_space<vmem>> -> memref<128xi32, #tpu.memory_space<vmem>>
      %dma_wait3A_291 = tpu.memref_slice %arg3[%add3A_18] : memref<16384xi32, #tpu.memory_space<hbm>> -> memref<128xi32, #tpu.memory_space<hbm>>
      %dma_wait3A_292 = arith.constant 0 : i32
      %dma_wait3A_293 = tpu.memref_slice %arg11[%run_scoped3A_19, %dma_wait3A_292] : memref<4x128xi32, #tpu.memory_space<vmem>> -> memref<1x128xi32, #tpu.memory_space<vmem>>
      %dma_wait3A_294 = tpu.memref_squeeze %dma_wait3A_293 : memref<1x128xi32, #tpu.memory_space<vmem>> -> memref<128xi32, #tpu.memory_space<vmem>>
      %dma_wait3A_295 = tpu.memref_slice %arg3[%add3A_18] : memref<16384xi32, #tpu.memory_space<hbm>> -> memref<128xi32, #tpu.memory_space<hbm>>
      tpu.wait_dma2 semaphore(%run_scoped3A_279 : memref<!tpu.dma_semaphore, #tpu.memory_space<semaphore_mem>>) src(%dma_wait3A_295 : memref<128xi32, #tpu.memory_space<hbm>>) dst(%dma_wait3A_294 : memref<128xi32, #tpu.memory_space<vmem>>)
      tpu.yield
    }) : () -> ()
    %add3A_20 = arith.constant 384 : i32
    %add3A_21 = arith.addi %mul3A_2, %add3A_20 : i32
    %run_scoped3A_22 = arith.constant 3 : i32
    "tpu.region"() ({
      %run_scoped3A_279 = tpu.sem_alloc : memref<!tpu.dma_semaphore, #tpu.memory_space<semaphore_mem>>
      %dma_start3A_280 = arith.constant 0 : i32
      %dma_start3A_281 = tpu.memref_slice %arg10[%run_scoped3A_22, %dma_start3A_280] : memref<4x128xi32, #tpu.memory_space<vmem>> -> memref<1x128xi32, #tpu.memory_space<vmem>>
      %dma_start3A_282 = tpu.memref_squeeze %dma_start3A_281 : memref<1x128xi32, #tpu.memory_space<vmem>> -> memref<128xi32, #tpu.memory_space<vmem>>
      %dma_start3A_283 = tpu.memref_slice %arg2[%add3A_21] : memref<16384xi32, #tpu.memory_space<hbm>> -> memref<128xi32, #tpu.memory_space<hbm>>
      %dma_start3A_284 = arith.constant 0 : i32
      %dma_start3A_285 = tpu.memref_slice %arg10[%run_scoped3A_22, %dma_start3A_284] : memref<4x128xi32, #tpu.memory_space<vmem>> -> memref<1x128xi32, #tpu.memory_space<vmem>>
      %dma_start3A_286 = tpu.memref_squeeze %dma_start3A_285 : memref<1x128xi32, #tpu.memory_space<vmem>> -> memref<128xi32, #tpu.memory_space<vmem>>
      %dma_start3A_287 = tpu.memref_slice %arg2[%add3A_21] : memref<16384xi32, #tpu.memory_space<hbm>> -> memref<128xi32, #tpu.memory_space<hbm>>
      tpu.enqueue_dma source(%dma_start3A_287 : memref<128xi32, #tpu.memory_space<hbm>>) target(%dma_start3A_286 : memref<128xi32, #tpu.memory_space<vmem>>) target_semaphore(%run_scoped3A_279 : memref<!tpu.dma_semaphore, #tpu.memory_space<semaphore_mem>>)
      %dma_wait3A_288 = arith.constant 0 : i32
      %dma_wait3A_289 = tpu.memref_slice %arg10[%run_scoped3A_22, %dma_wait3A_288] : memref<4x128xi32, #tpu.memory_space<vmem>> -> memref<1x128xi32, #tpu.memory_space<vmem>>
      %dma_wait3A_290 = tpu.memref_squeeze %dma_wait3A_289 : memref<1x128xi32, #tpu.memory_space<vmem>> -> memref<128xi32, #tpu.memory_space<vmem>>
      %dma_wait3A_291 = tpu.memref_slice %arg2[%add3A_21] : memref<16384xi32, #tpu.memory_space<hbm>> -> memref<128xi32, #tpu.memory_space<hbm>>
      %dma_wait3A_292 = arith.constant 0 : i32
      %dma_wait3A_293 = tpu.memref_slice %arg10[%run_scoped3A_22, %dma_wait3A_292] : memref<4x128xi32, #tpu.memory_space<vmem>> -> memref<1x128xi32, #tpu.memory_space<vmem>>
      %dma_wait3A_294 = tpu.memref_squeeze %dma_wait3A_293 : memref<1x128xi32, #tpu.memory_space<vmem>> -> memref<128xi32, #tpu.memory_space<vmem>>
      %dma_wait3A_295 = tpu.memref_slice %arg2[%add3A_21] : memref<16384xi32, #tpu.memory_space<hbm>> -> memref<128xi32, #tpu.memory_space<hbm>>
      tpu.wait_dma2 semaphore(%run_scoped3A_279 : memref<!tpu.dma_semaphore, #tpu.memory_space<semaphore_mem>>) src(%dma_wait3A_295 : memref<128xi32, #tpu.memory_space<hbm>>) dst(%dma_wait3A_294 : memref<128xi32, #tpu.memory_space<vmem>>)
      tpu.yield
    }) : () -> ()
    %add3A_23 = arith.constant 384 : i32
    %add3A_24 = arith.addi %mul3A_2, %add3A_23 : i32
    %run_scoped3A_25 = arith.constant 3 : i32
    "tpu.region"() ({
      %run_scoped3A_279 = tpu.sem_alloc : memref<!tpu.dma_semaphore, #tpu.memory_space<semaphore_mem>>
      %dma_start3A_280 = arith.constant 0 : i32
      %dma_start3A_281 = tpu.memref_slice %arg11[%run_scoped3A_25, %dma_start3A_280] : memref<4x128xi32, #tpu.memory_space<vmem>> -> memref<1x128xi32, #tpu.memory_space<vmem>>
      %dma_start3A_282 = tpu.memref_squeeze %dma_start3A_281 : memref<1x128xi32, #tpu.memory_space<vmem>> -> memref<128xi32, #tpu.memory_space<vmem>>
      %dma_start3A_283 = tpu.memref_slice %arg3[%add3A_24] : memref<16384xi32, #tpu.memory_space<hbm>> -> memref<128xi32, #tpu.memory_space<hbm>>
      %dma_start3A_284 = arith.constant 0 : i32
      %dma_start3A_285 = tpu.memref_slice %arg11[%run_scoped3A_25, %dma_start3A_284] : memref<4x128xi32, #tpu.memory_space<vmem>> -> memref<1x128xi32, #tpu.memory_space<vmem>>
      %dma_start3A_286 = tpu.memref_squeeze %dma_start3A_285 : memref<1x128xi32, #tpu.memory_space<vmem>> -> memref<128xi32, #tpu.memory_space<vmem>>
      %dma_start3A_287 = tpu.memref_slice %arg3[%add3A_24] : memref<16384xi32, #tpu.memory_space<hbm>> -> memref<128xi32, #tpu.memory_space<hbm>>
      tpu.enqueue_dma source(%dma_start3A_287 : memref<128xi32, #tpu.memory_space<hbm>>) target(%dma_start3A_286 : memref<128xi32, #tpu.memory_space<vmem>>) target_semaphore(%run_scoped3A_279 : memref<!tpu.dma_semaphore, #tpu.memory_space<semaphore_mem>>)
      %dma_wait3A_288 = arith.constant 0 : i32
      %dma_wait3A_289 = tpu.memref_slice %arg11[%run_scoped3A_25, %dma_wait3A_288] : memref<4x128xi32, #tpu.memory_space<vmem>> -> memref<1x128xi32, #tpu.memory_space<vmem>>
      %dma_wait3A_290 = tpu.memref_squeeze %dma_wait3A_289 : memref<1x128xi32, #tpu.memory_space<vmem>> -> memref<128xi32, #tpu.memory_space<vmem>>
      %dma_wait3A_291 = tpu.memref_slice %arg3[%add3A_24] : memref<16384xi32, #tpu.memory_space<hbm>> -> memref<128xi32, #tpu.memory_space<hbm>>
      %dma_wait3A_292 = arith.constant 0 : i32
      %dma_wait3A_293 = tpu.memref_slice %arg11[%run_scoped3A_25, %dma_wait3A_292] : memref<4x128xi32, #tpu.memory_space<vmem>> -> memref<1x128xi32, #tpu.memory_space<vmem>>
      %dma_wait3A_294 = tpu.memref_squeeze %dma_wait3A_293 : memref<1x128xi32, #tpu.memory_space<vmem>> -> memref<128xi32, #tpu.memory_space<vmem>>
      %dma_wait3A_295 = tpu.memref_slice %arg3[%add3A_24] : memref<16384xi32, #tpu.memory_space<hbm>> -> memref<128xi32, #tpu.memory_space<hbm>>
      tpu.wait_dma2 semaphore(%run_scoped3A_279 : memref<!tpu.dma_semaphore, #tpu.memory_space<semaphore_mem>>) src(%dma_wait3A_295 : memref<128xi32, #tpu.memory_space<hbm>>) dst(%dma_wait3A_294 : memref<128xi32, #tpu.memory_space<vmem>>)
      tpu.yield
    }) : () -> ()
    "tpu.region"() ({
      %run_scoped3A_279 = tpu.sem_alloc : memref<!tpu.dma_semaphore, #tpu.memory_space<semaphore_mem>>
      tpu.enqueue_dma source(%arg8 : memref<128xf32, #tpu.memory_space<hbm>>) target(%arg16 : memref<128xf32, #tpu.memory_space<vmem>>) target_semaphore(%run_scoped3A_279 : memref<!tpu.dma_semaphore, #tpu.memory_space<semaphore_mem>>)
      tpu.wait_dma2 semaphore(%run_scoped3A_279 : memref<!tpu.dma_semaphore, #tpu.memory_space<semaphore_mem>>) src(%arg8 : memref<128xf32, #tpu.memory_space<hbm>>) dst(%arg16 : memref<128xf32, #tpu.memory_space<vmem>>)
      tpu.yield
    }) : () -> ()
    %dma_start3A = arith.constant 0 : i32
    %dma_start3A_26 = arith.constant 0 : i32
    %dma_start3A_27 = arith.constant 0 : i32
    %dma_start3A_28 = tpu.memref_slice %arg12[%dma_start3A_26, %dma_start3A_27] : memref<512x32xf32, #tpu.memory_space<vmem>> -> memref<128x32xf32, #tpu.memory_space<vmem>>
    %dma_start3A_29 = arith.constant 0 : i32
    %dma_start3A_30 = tpu.memref_slice %arg10[%dma_start3A, %dma_start3A_29] : memref<4x128xi32, #tpu.memory_space<vmem>> -> memref<1x128xi32, #tpu.memory_space<vmem>>
    %dma_start3A_31 = tpu.memref_squeeze %dma_start3A_30 : memref<1x128xi32, #tpu.memory_space<vmem>> -> memref<128xi32, #tpu.memory_space<vmem>>
    %dma_start3A_32 = arith.constant 0 : i32
    %dma_start3A_33 = arith.constant 0 : i32
    %dma_start3A_34 = tpu.memref_slice %arg4[%dma_start3A_32, %dma_start3A_33] : memref<1000000x32xf32, #tpu.memory_space<hbm>> -> memref<1000000x32xf32, #tpu.memory_space<hbm>>
    tpu.enqueue_indirect_dma source(%dma_start3A_34 : memref<1000000x32xf32, #tpu.memory_space<hbm>>) target(%dma_start3A_28 : memref<128x32xf32, #tpu.memory_space<vmem>>) offsets(%dma_start3A_31 : memref<128xi32, #tpu.memory_space<vmem>>) semaphore(%arg18 : memref<!tpu.dma_semaphore, #tpu.memory_space<semaphore_mem>>)
    %dma_start3A_35 = arith.constant 0 : i32
    %dma_start3A_36 = arith.constant 0 : i32
    %dma_start3A_37 = arith.constant 0 : i32
    %dma_start3A_38 = tpu.memref_slice %arg13[%dma_start3A_36, %dma_start3A_37] : memref<512x32xf32, #tpu.memory_space<vmem>> -> memref<128x32xf32, #tpu.memory_space<vmem>>
    %dma_start3A_39 = arith.constant 0 : i32
    %dma_start3A_40 = tpu.memref_slice %arg11[%dma_start3A_35, %dma_start3A_39] : memref<4x128xi32, #tpu.memory_space<vmem>> -> memref<1x128xi32, #tpu.memory_space<vmem>>
    %dma_start3A_41 = tpu.memref_squeeze %dma_start3A_40 : memref<1x128xi32, #tpu.memory_space<vmem>> -> memref<128xi32, #tpu.memory_space<vmem>>
    %dma_start3A_42 = arith.constant 0 : i32
    %dma_start3A_43 = arith.constant 0 : i32
    %dma_start3A_44 = tpu.memref_slice %arg5[%dma_start3A_42, %dma_start3A_43] : memref<1000000x32xf32, #tpu.memory_space<hbm>> -> memref<1000000x32xf32, #tpu.memory_space<hbm>>
    tpu.enqueue_indirect_dma source(%dma_start3A_44 : memref<1000000x32xf32, #tpu.memory_space<hbm>>) target(%dma_start3A_38 : memref<128x32xf32, #tpu.memory_space<vmem>>) offsets(%dma_start3A_41 : memref<128xi32, #tpu.memory_space<vmem>>) semaphore(%arg18 : memref<!tpu.dma_semaphore, #tpu.memory_space<semaphore_mem>>)
    %dma_start3A_45 = arith.constant 0 : i32
    %dma_start3A_46 = arith.constant 0 : i32
    %dma_start3A_47 = tpu.memref_slice %arg14[%dma_start3A_46] : memref<512xf32, #tpu.memory_space<vmem>> -> memref<128xf32, #tpu.memory_space<vmem>>
    %dma_start3A_48 = arith.constant 0 : i32
    %dma_start3A_49 = tpu.memref_slice %arg10[%dma_start3A_45, %dma_start3A_48] : memref<4x128xi32, #tpu.memory_space<vmem>> -> memref<1x128xi32, #tpu.memory_space<vmem>>
    %dma_start3A_50 = tpu.memref_squeeze %dma_start3A_49 : memref<1x128xi32, #tpu.memory_space<vmem>> -> memref<128xi32, #tpu.memory_space<vmem>>
    %dma_start3A_51 = arith.constant 0 : i32
    %dma_start3A_52 = tpu.memref_slice %arg6[%dma_start3A_51] : memref<1000000xf32, #tpu.memory_space<hbm>> -> memref<1000000xf32, #tpu.memory_space<hbm>>
    tpu.enqueue_indirect_dma source(%dma_start3A_52 : memref<1000000xf32, #tpu.memory_space<hbm>>) target(%dma_start3A_47 : memref<128xf32, #tpu.memory_space<vmem>>) offsets(%dma_start3A_50 : memref<128xi32, #tpu.memory_space<vmem>>) semaphore(%arg18 : memref<!tpu.dma_semaphore, #tpu.memory_space<semaphore_mem>>)
    %dma_start3A_53 = arith.constant 0 : i32
    %dma_start3A_54 = arith.constant 0 : i32
    %dma_start3A_55 = tpu.memref_slice %arg15[%dma_start3A_54] : memref<512xf32, #tpu.memory_space<vmem>> -> memref<128xf32, #tpu.memory_space<vmem>>
    %dma_start3A_56 = arith.constant 0 : i32
    %dma_start3A_57 = tpu.memref_slice %arg11[%dma_start3A_53, %dma_start3A_56] : memref<4x128xi32, #tpu.memory_space<vmem>> -> memref<1x128xi32, #tpu.memory_space<vmem>>
    %dma_start3A_58 = tpu.memref_squeeze %dma_start3A_57 : memref<1x128xi32, #tpu.memory_space<vmem>> -> memref<128xi32, #tpu.memory_space<vmem>>
    %dma_start3A_59 = arith.constant 0 : i32
    %dma_start3A_60 = tpu.memref_slice %arg7[%dma_start3A_59] : memref<1000000xf32, #tpu.memory_space<hbm>> -> memref<1000000xf32, #tpu.memory_space<hbm>>
    tpu.enqueue_indirect_dma source(%dma_start3A_60 : memref<1000000xf32, #tpu.memory_space<hbm>>) target(%dma_start3A_55 : memref<128xf32, #tpu.memory_space<vmem>>) offsets(%dma_start3A_58 : memref<128xi32, #tpu.memory_space<vmem>>) semaphore(%arg18 : memref<!tpu.dma_semaphore, #tpu.memory_space<semaphore_mem>>)
    %dma_start3A_61 = arith.constant 1 : i32
    %dma_start3A_62 = arith.constant 128 : i32
    %dma_start3A_63 = arith.constant 0 : i32
    %dma_start3A_64 = tpu.memref_slice %arg12[%dma_start3A_62, %dma_start3A_63] : memref<512x32xf32, #tpu.memory_space<vmem>> -> memref<128x32xf32, #tpu.memory_space<vmem>>
    %dma_start3A_65 = arith.constant 0 : i32
    %dma_start3A_66 = tpu.memref_slice %arg10[%dma_start3A_61, %dma_start3A_65] : memref<4x128xi32, #tpu.memory_space<vmem>> -> memref<1x128xi32, #tpu.memory_space<vmem>>
    %dma_start3A_67 = tpu.memref_squeeze %dma_start3A_66 : memref<1x128xi32, #tpu.memory_space<vmem>> -> memref<128xi32, #tpu.memory_space<vmem>>
    %dma_start3A_68 = arith.constant 0 : i32
    %dma_start3A_69 = arith.constant 0 : i32
    %dma_start3A_70 = tpu.memref_slice %arg4[%dma_start3A_68, %dma_start3A_69] : memref<1000000x32xf32, #tpu.memory_space<hbm>> -> memref<1000000x32xf32, #tpu.memory_space<hbm>>
    tpu.enqueue_indirect_dma source(%dma_start3A_70 : memref<1000000x32xf32, #tpu.memory_space<hbm>>) target(%dma_start3A_64 : memref<128x32xf32, #tpu.memory_space<vmem>>) offsets(%dma_start3A_67 : memref<128xi32, #tpu.memory_space<vmem>>) semaphore(%arg18 : memref<!tpu.dma_semaphore, #tpu.memory_space<semaphore_mem>>)
    %dma_start3A_71 = arith.constant 1 : i32
    %dma_start3A_72 = arith.constant 128 : i32
    %dma_start3A_73 = arith.constant 0 : i32
    %dma_start3A_74 = tpu.memref_slice %arg13[%dma_start3A_72, %dma_start3A_73] : memref<512x32xf32, #tpu.memory_space<vmem>> -> memref<128x32xf32, #tpu.memory_space<vmem>>
    %dma_start3A_75 = arith.constant 0 : i32
    %dma_start3A_76 = tpu.memref_slice %arg11[%dma_start3A_71, %dma_start3A_75] : memref<4x128xi32, #tpu.memory_space<vmem>> -> memref<1x128xi32, #tpu.memory_space<vmem>>
    %dma_start3A_77 = tpu.memref_squeeze %dma_start3A_76 : memref<1x128xi32, #tpu.memory_space<vmem>> -> memref<128xi32, #tpu.memory_space<vmem>>
    %dma_start3A_78 = arith.constant 0 : i32
    %dma_start3A_79 = arith.constant 0 : i32
    %dma_start3A_80 = tpu.memref_slice %arg5[%dma_start3A_78, %dma_start3A_79] : memref<1000000x32xf32, #tpu.memory_space<hbm>> -> memref<1000000x32xf32, #tpu.memory_space<hbm>>
    tpu.enqueue_indirect_dma source(%dma_start3A_80 : memref<1000000x32xf32, #tpu.memory_space<hbm>>) target(%dma_start3A_74 : memref<128x32xf32, #tpu.memory_space<vmem>>) offsets(%dma_start3A_77 : memref<128xi32, #tpu.memory_space<vmem>>) semaphore(%arg18 : memref<!tpu.dma_semaphore, #tpu.memory_space<semaphore_mem>>)
    %dma_start3A_81 = arith.constant 1 : i32
    %dma_start3A_82 = arith.constant 128 : i32
    %dma_start3A_83 = tpu.memref_slice %arg14[%dma_start3A_82] : memref<512xf32, #tpu.memory_space<vmem>> -> memref<128xf32, #tpu.memory_space<vmem>>
    %dma_start3A_84 = arith.constant 0 : i32
    %dma_start3A_85 = tpu.memref_slice %arg10[%dma_start3A_81, %dma_start3A_84] : memref<4x128xi32, #tpu.memory_space<vmem>> -> memref<1x128xi32, #tpu.memory_space<vmem>>
    %dma_start3A_86 = tpu.memref_squeeze %dma_start3A_85 : memref<1x128xi32, #tpu.memory_space<vmem>> -> memref<128xi32, #tpu.memory_space<vmem>>
    %dma_start3A_87 = arith.constant 0 : i32
    %dma_start3A_88 = tpu.memref_slice %arg6[%dma_start3A_87] : memref<1000000xf32, #tpu.memory_space<hbm>> -> memref<1000000xf32, #tpu.memory_space<hbm>>
    tpu.enqueue_indirect_dma source(%dma_start3A_88 : memref<1000000xf32, #tpu.memory_space<hbm>>) target(%dma_start3A_83 : memref<128xf32, #tpu.memory_space<vmem>>) offsets(%dma_start3A_86 : memref<128xi32, #tpu.memory_space<vmem>>) semaphore(%arg18 : memref<!tpu.dma_semaphore, #tpu.memory_space<semaphore_mem>>)
    %dma_start3A_89 = arith.constant 1 : i32
    %dma_start3A_90 = arith.constant 128 : i32
    %dma_start3A_91 = tpu.memref_slice %arg15[%dma_start3A_90] : memref<512xf32, #tpu.memory_space<vmem>> -> memref<128xf32, #tpu.memory_space<vmem>>
    %dma_start3A_92 = arith.constant 0 : i32
    %dma_start3A_93 = tpu.memref_slice %arg11[%dma_start3A_89, %dma_start3A_92] : memref<4x128xi32, #tpu.memory_space<vmem>> -> memref<1x128xi32, #tpu.memory_space<vmem>>
    %dma_start3A_94 = tpu.memref_squeeze %dma_start3A_93 : memref<1x128xi32, #tpu.memory_space<vmem>> -> memref<128xi32, #tpu.memory_space<vmem>>
    %dma_start3A_95 = arith.constant 0 : i32
    %dma_start3A_96 = tpu.memref_slice %arg7[%dma_start3A_95] : memref<1000000xf32, #tpu.memory_space<hbm>> -> memref<1000000xf32, #tpu.memory_space<hbm>>
    tpu.enqueue_indirect_dma source(%dma_start3A_96 : memref<1000000xf32, #tpu.memory_space<hbm>>) target(%dma_start3A_91 : memref<128xf32, #tpu.memory_space<vmem>>) offsets(%dma_start3A_94 : memref<128xi32, #tpu.memory_space<vmem>>) semaphore(%arg18 : memref<!tpu.dma_semaphore, #tpu.memory_space<semaphore_mem>>)
    %dma_start3A_97 = arith.constant 2 : i32
    %dma_start3A_98 = arith.constant 256 : i32
    %dma_start3A_99 = arith.constant 0 : i32
    %dma_start3A_100 = tpu.memref_slice %arg12[%dma_start3A_98, %dma_start3A_99] : memref<512x32xf32, #tpu.memory_space<vmem>> -> memref<128x32xf32, #tpu.memory_space<vmem>>
    %dma_start3A_101 = arith.constant 0 : i32
    %dma_start3A_102 = tpu.memref_slice %arg10[%dma_start3A_97, %dma_start3A_101] : memref<4x128xi32, #tpu.memory_space<vmem>> -> memref<1x128xi32, #tpu.memory_space<vmem>>
    %dma_start3A_103 = tpu.memref_squeeze %dma_start3A_102 : memref<1x128xi32, #tpu.memory_space<vmem>> -> memref<128xi32, #tpu.memory_space<vmem>>
    %dma_start3A_104 = arith.constant 0 : i32
    %dma_start3A_105 = arith.constant 0 : i32
    %dma_start3A_106 = tpu.memref_slice %arg4[%dma_start3A_104, %dma_start3A_105] : memref<1000000x32xf32, #tpu.memory_space<hbm>> -> memref<1000000x32xf32, #tpu.memory_space<hbm>>
    tpu.enqueue_indirect_dma source(%dma_start3A_106 : memref<1000000x32xf32, #tpu.memory_space<hbm>>) target(%dma_start3A_100 : memref<128x32xf32, #tpu.memory_space<vmem>>) offsets(%dma_start3A_103 : memref<128xi32, #tpu.memory_space<vmem>>) semaphore(%arg18 : memref<!tpu.dma_semaphore, #tpu.memory_space<semaphore_mem>>)
    %dma_start3A_107 = arith.constant 2 : i32
    %dma_start3A_108 = arith.constant 256 : i32
    %dma_start3A_109 = arith.constant 0 : i32
    %dma_start3A_110 = tpu.memref_slice %arg13[%dma_start3A_108, %dma_start3A_109] : memref<512x32xf32, #tpu.memory_space<vmem>> -> memref<128x32xf32, #tpu.memory_space<vmem>>
    %dma_start3A_111 = arith.constant 0 : i32
    %dma_start3A_112 = tpu.memref_slice %arg11[%dma_start3A_107, %dma_start3A_111] : memref<4x128xi32, #tpu.memory_space<vmem>> -> memref<1x128xi32, #tpu.memory_space<vmem>>
    %dma_start3A_113 = tpu.memref_squeeze %dma_start3A_112 : memref<1x128xi32, #tpu.memory_space<vmem>> -> memref<128xi32, #tpu.memory_space<vmem>>
    %dma_start3A_114 = arith.constant 0 : i32
    %dma_start3A_115 = arith.constant 0 : i32
    %dma_start3A_116 = tpu.memref_slice %arg5[%dma_start3A_114, %dma_start3A_115] : memref<1000000x32xf32, #tpu.memory_space<hbm>> -> memref<1000000x32xf32, #tpu.memory_space<hbm>>
    tpu.enqueue_indirect_dma source(%dma_start3A_116 : memref<1000000x32xf32, #tpu.memory_space<hbm>>) target(%dma_start3A_110 : memref<128x32xf32, #tpu.memory_space<vmem>>) offsets(%dma_start3A_113 : memref<128xi32, #tpu.memory_space<vmem>>) semaphore(%arg18 : memref<!tpu.dma_semaphore, #tpu.memory_space<semaphore_mem>>)
    %dma_start3A_117 = arith.constant 2 : i32
    %dma_start3A_118 = arith.constant 256 : i32
    %dma_start3A_119 = tpu.memref_slice %arg14[%dma_start3A_118] : memref<512xf32, #tpu.memory_space<vmem>> -> memref<128xf32, #tpu.memory_space<vmem>>
    %dma_start3A_120 = arith.constant 0 : i32
    %dma_start3A_121 = tpu.memref_slice %arg10[%dma_start3A_117, %dma_start3A_120] : memref<4x128xi32, #tpu.memory_space<vmem>> -> memref<1x128xi32, #tpu.memory_space<vmem>>
    %dma_start3A_122 = tpu.memref_squeeze %dma_start3A_121 : memref<1x128xi32, #tpu.memory_space<vmem>> -> memref<128xi32, #tpu.memory_space<vmem>>
    %dma_start3A_123 = arith.constant 0 : i32
    %dma_start3A_124 = tpu.memref_slice %arg6[%dma_start3A_123] : memref<1000000xf32, #tpu.memory_space<hbm>> -> memref<1000000xf32, #tpu.memory_space<hbm>>
    tpu.enqueue_indirect_dma source(%dma_start3A_124 : memref<1000000xf32, #tpu.memory_space<hbm>>) target(%dma_start3A_119 : memref<128xf32, #tpu.memory_space<vmem>>) offsets(%dma_start3A_122 : memref<128xi32, #tpu.memory_space<vmem>>) semaphore(%arg18 : memref<!tpu.dma_semaphore, #tpu.memory_space<semaphore_mem>>)
    %dma_start3A_125 = arith.constant 2 : i32
    %dma_start3A_126 = arith.constant 256 : i32
    %dma_start3A_127 = tpu.memref_slice %arg15[%dma_start3A_126] : memref<512xf32, #tpu.memory_space<vmem>> -> memref<128xf32, #tpu.memory_space<vmem>>
    %dma_start3A_128 = arith.constant 0 : i32
    %dma_start3A_129 = tpu.memref_slice %arg11[%dma_start3A_125, %dma_start3A_128] : memref<4x128xi32, #tpu.memory_space<vmem>> -> memref<1x128xi32, #tpu.memory_space<vmem>>
    %dma_start3A_130 = tpu.memref_squeeze %dma_start3A_129 : memref<1x128xi32, #tpu.memory_space<vmem>> -> memref<128xi32, #tpu.memory_space<vmem>>
    %dma_start3A_131 = arith.constant 0 : i32
    %dma_start3A_132 = tpu.memref_slice %arg7[%dma_start3A_131] : memref<1000000xf32, #tpu.memory_space<hbm>> -> memref<1000000xf32, #tpu.memory_space<hbm>>
    tpu.enqueue_indirect_dma source(%dma_start3A_132 : memref<1000000xf32, #tpu.memory_space<hbm>>) target(%dma_start3A_127 : memref<128xf32, #tpu.memory_space<vmem>>) offsets(%dma_start3A_130 : memref<128xi32, #tpu.memory_space<vmem>>) semaphore(%arg18 : memref<!tpu.dma_semaphore, #tpu.memory_space<semaphore_mem>>)
    %dma_start3A_133 = arith.constant 3 : i32
    %dma_start3A_134 = arith.constant 384 : i32
    %dma_start3A_135 = arith.constant 0 : i32
    %dma_start3A_136 = tpu.memref_slice %arg12[%dma_start3A_134, %dma_start3A_135] : memref<512x32xf32, #tpu.memory_space<vmem>> -> memref<128x32xf32, #tpu.memory_space<vmem>>
    %dma_start3A_137 = arith.constant 0 : i32
    %dma_start3A_138 = tpu.memref_slice %arg10[%dma_start3A_133, %dma_start3A_137] : memref<4x128xi32, #tpu.memory_space<vmem>> -> memref<1x128xi32, #tpu.memory_space<vmem>>
    %dma_start3A_139 = tpu.memref_squeeze %dma_start3A_138 : memref<1x128xi32, #tpu.memory_space<vmem>> -> memref<128xi32, #tpu.memory_space<vmem>>
    %dma_start3A_140 = arith.constant 0 : i32
    %dma_start3A_141 = arith.constant 0 : i32
    %dma_start3A_142 = tpu.memref_slice %arg4[%dma_start3A_140, %dma_start3A_141] : memref<1000000x32xf32, #tpu.memory_space<hbm>> -> memref<1000000x32xf32, #tpu.memory_space<hbm>>
    tpu.enqueue_indirect_dma source(%dma_start3A_142 : memref<1000000x32xf32, #tpu.memory_space<hbm>>) target(%dma_start3A_136 : memref<128x32xf32, #tpu.memory_space<vmem>>) offsets(%dma_start3A_139 : memref<128xi32, #tpu.memory_space<vmem>>) semaphore(%arg18 : memref<!tpu.dma_semaphore, #tpu.memory_space<semaphore_mem>>)
    %dma_start3A_143 = arith.constant 3 : i32
    %dma_start3A_144 = arith.constant 384 : i32
    %dma_start3A_145 = arith.constant 0 : i32
    %dma_start3A_146 = tpu.memref_slice %arg13[%dma_start3A_144, %dma_start3A_145] : memref<512x32xf32, #tpu.memory_space<vmem>> -> memref<128x32xf32, #tpu.memory_space<vmem>>
    %dma_start3A_147 = arith.constant 0 : i32
    %dma_start3A_148 = tpu.memref_slice %arg11[%dma_start3A_143, %dma_start3A_147] : memref<4x128xi32, #tpu.memory_space<vmem>> -> memref<1x128xi32, #tpu.memory_space<vmem>>
    %dma_start3A_149 = tpu.memref_squeeze %dma_start3A_148 : memref<1x128xi32, #tpu.memory_space<vmem>> -> memref<128xi32, #tpu.memory_space<vmem>>
    %dma_start3A_150 = arith.constant 0 : i32
    %dma_start3A_151 = arith.constant 0 : i32
    %dma_start3A_152 = tpu.memref_slice %arg5[%dma_start3A_150, %dma_start3A_151] : memref<1000000x32xf32, #tpu.memory_space<hbm>> -> memref<1000000x32xf32, #tpu.memory_space<hbm>>
    tpu.enqueue_indirect_dma source(%dma_start3A_152 : memref<1000000x32xf32, #tpu.memory_space<hbm>>) target(%dma_start3A_146 : memref<128x32xf32, #tpu.memory_space<vmem>>) offsets(%dma_start3A_149 : memref<128xi32, #tpu.memory_space<vmem>>) semaphore(%arg18 : memref<!tpu.dma_semaphore, #tpu.memory_space<semaphore_mem>>)
    %dma_start3A_153 = arith.constant 3 : i32
    %dma_start3A_154 = arith.constant 384 : i32
    %dma_start3A_155 = tpu.memref_slice %arg14[%dma_start3A_154] : memref<512xf32, #tpu.memory_space<vmem>> -> memref<128xf32, #tpu.memory_space<vmem>>
    %dma_start3A_156 = arith.constant 0 : i32
    %dma_start3A_157 = tpu.memref_slice %arg10[%dma_start3A_153, %dma_start3A_156] : memref<4x128xi32, #tpu.memory_space<vmem>> -> memref<1x128xi32, #tpu.memory_space<vmem>>
    %dma_start3A_158 = tpu.memref_squeeze %dma_start3A_157 : memref<1x128xi32, #tpu.memory_space<vmem>> -> memref<128xi32, #tpu.memory_space<vmem>>
    %dma_start3A_159 = arith.constant 0 : i32
    %dma_start3A_160 = tpu.memref_slice %arg6[%dma_start3A_159] : memref<1000000xf32, #tpu.memory_space<hbm>> -> memref<1000000xf32, #tpu.memory_space<hbm>>
    tpu.enqueue_indirect_dma source(%dma_start3A_160 : memref<1000000xf32, #tpu.memory_space<hbm>>) target(%dma_start3A_155 : memref<128xf32, #tpu.memory_space<vmem>>) offsets(%dma_start3A_158 : memref<128xi32, #tpu.memory_space<vmem>>) semaphore(%arg18 : memref<!tpu.dma_semaphore, #tpu.memory_space<semaphore_mem>>)
    %dma_start3A_161 = arith.constant 3 : i32
    %dma_start3A_162 = arith.constant 384 : i32
    %dma_start3A_163 = tpu.memref_slice %arg15[%dma_start3A_162] : memref<512xf32, #tpu.memory_space<vmem>> -> memref<128xf32, #tpu.memory_space<vmem>>
    %dma_start3A_164 = arith.constant 0 : i32
    %dma_start3A_165 = tpu.memref_slice %arg11[%dma_start3A_161, %dma_start3A_164] : memref<4x128xi32, #tpu.memory_space<vmem>> -> memref<1x128xi32, #tpu.memory_space<vmem>>
    %dma_start3A_166 = tpu.memref_squeeze %dma_start3A_165 : memref<1x128xi32, #tpu.memory_space<vmem>> -> memref<128xi32, #tpu.memory_space<vmem>>
    %dma_start3A_167 = arith.constant 0 : i32
    %dma_start3A_168 = tpu.memref_slice %arg7[%dma_start3A_167] : memref<1000000xf32, #tpu.memory_space<hbm>> -> memref<1000000xf32, #tpu.memory_space<hbm>>
    tpu.enqueue_indirect_dma source(%dma_start3A_168 : memref<1000000xf32, #tpu.memory_space<hbm>>) target(%dma_start3A_163 : memref<128xf32, #tpu.memory_space<vmem>>) offsets(%dma_start3A_166 : memref<128xi32, #tpu.memory_space<vmem>>) semaphore(%arg18 : memref<!tpu.dma_semaphore, #tpu.memory_space<semaphore_mem>>)
    %dma_wait3A = arith.constant 0 : i32
    %dma_wait3A_169 = tpu.memref_slice %arg9[%dma_wait3A] : memref<16384xf32, #tpu.memory_space<hbm>> -> memref<512xf32, #tpu.memory_space<hbm>>
    %dma_wait3A_170 = arith.constant 0 : i32
    %dma_wait3A_171 = tpu.memref_slice %arg9[%dma_wait3A_170] : memref<16384xf32, #tpu.memory_space<hbm>> -> memref<512xf32, #tpu.memory_space<hbm>>
    tpu.wait_dma2 semaphore(%arg18 : memref<!tpu.dma_semaphore, #tpu.memory_space<semaphore_mem>>) src(%dma_wait3A_171 : memref<512xf32, #tpu.memory_space<hbm>>) dst(%arg14 : memref<512xf32, #tpu.memory_space<vmem>>)
    %dma_wait3A_172 = arith.constant 0 : i32
    %dma_wait3A_173 = tpu.memref_slice %arg9[%dma_wait3A_172] : memref<16384xf32, #tpu.memory_space<hbm>> -> memref<512xf32, #tpu.memory_space<hbm>>
    %dma_wait3A_174 = arith.constant 0 : i32
    %dma_wait3A_175 = tpu.memref_slice %arg9[%dma_wait3A_174] : memref<16384xf32, #tpu.memory_space<hbm>> -> memref<512xf32, #tpu.memory_space<hbm>>
    tpu.wait_dma2 semaphore(%arg18 : memref<!tpu.dma_semaphore, #tpu.memory_space<semaphore_mem>>) src(%dma_wait3A_175 : memref<512xf32, #tpu.memory_space<hbm>>) dst(%arg15 : memref<512xf32, #tpu.memory_space<vmem>>)
    %dma_wait3A_176 = arith.constant 0 : i32
    %dma_wait3A_177 = arith.constant 0 : i32
    %dma_wait3A_178 = tpu.memref_slice %arg12[%dma_wait3A_176, %dma_wait3A_177] : memref<512x32xf32, #tpu.memory_space<vmem>> -> memref<128x32xf32, #tpu.memory_space<vmem>>
    %dma_wait3A_179 = arith.constant 0 : i32
    %dma_wait3A_180 = arith.constant 0 : i32
    %dma_wait3A_181 = tpu.memref_slice %arg4[%dma_wait3A_179, %dma_wait3A_180] : memref<1000000x32xf32, #tpu.memory_space<hbm>> -> memref<128x32xf32, #tpu.memory_space<hbm>>
    %dma_wait3A_182 = arith.constant 0 : i32
    %dma_wait3A_183 = arith.constant 0 : i32
    %dma_wait3A_184 = tpu.memref_slice %arg12[%dma_wait3A_182, %dma_wait3A_183] : memref<512x32xf32, #tpu.memory_space<vmem>> -> memref<128x32xf32, #tpu.memory_space<vmem>>
    %dma_wait3A_185 = arith.constant 0 : i32
    %dma_wait3A_186 = arith.constant 0 : i32
    %dma_wait3A_187 = tpu.memref_slice %arg4[%dma_wait3A_185, %dma_wait3A_186] : memref<1000000x32xf32, #tpu.memory_space<hbm>> -> memref<128x32xf32, #tpu.memory_space<hbm>>
    tpu.wait_dma2 semaphore(%arg18 : memref<!tpu.dma_semaphore, #tpu.memory_space<semaphore_mem>>) src(%dma_wait3A_187 : memref<128x32xf32, #tpu.memory_space<hbm>>) dst(%dma_wait3A_184 : memref<128x32xf32, #tpu.memory_space<vmem>>)
    %dma_wait3A_188 = arith.constant 0 : i32
    %dma_wait3A_189 = arith.constant 0 : i32
    %dma_wait3A_190 = tpu.memref_slice %arg13[%dma_wait3A_188, %dma_wait3A_189] : memref<512x32xf32, #tpu.memory_space<vmem>> -> memref<128x32xf32, #tpu.memory_space<vmem>>
    %dma_wait3A_191 = arith.constant 0 : i32
    %dma_wait3A_192 = arith.constant 0 : i32
    %dma_wait3A_193 = tpu.memref_slice %arg5[%dma_wait3A_191, %dma_wait3A_192] : memref<1000000x32xf32, #tpu.memory_space<hbm>> -> memref<128x32xf32, #tpu.memory_space<hbm>>
    %dma_wait3A_194 = arith.constant 0 : i32
    %dma_wait3A_195 = arith.constant 0 : i32
    %dma_wait3A_196 = tpu.memref_slice %arg13[%dma_wait3A_194, %dma_wait3A_195] : memref<512x32xf32, #tpu.memory_space<vmem>> -> memref<128x32xf32, #tpu.memory_space<vmem>>
    %dma_wait3A_197 = arith.constant 0 : i32
    %dma_wait3A_198 = arith.constant 0 : i32
    %dma_wait3A_199 = tpu.memref_slice %arg5[%dma_wait3A_197, %dma_wait3A_198] : memref<1000000x32xf32, #tpu.memory_space<hbm>> -> memref<128x32xf32, #tpu.memory_space<hbm>>
    tpu.wait_dma2 semaphore(%arg18 : memref<!tpu.dma_semaphore, #tpu.memory_space<semaphore_mem>>) src(%dma_wait3A_199 : memref<128x32xf32, #tpu.memory_space<hbm>>) dst(%dma_wait3A_196 : memref<128x32xf32, #tpu.memory_space<vmem>>)
    %dma_wait3A_200 = arith.constant 128 : i32
    %dma_wait3A_201 = arith.constant 0 : i32
    %dma_wait3A_202 = tpu.memref_slice %arg12[%dma_wait3A_200, %dma_wait3A_201] : memref<512x32xf32, #tpu.memory_space<vmem>> -> memref<128x32xf32, #tpu.memory_space<vmem>>
    %dma_wait3A_203 = arith.constant 0 : i32
    %dma_wait3A_204 = arith.constant 0 : i32
    %dma_wait3A_205 = tpu.memref_slice %arg4[%dma_wait3A_203, %dma_wait3A_204] : memref<1000000x32xf32, #tpu.memory_space<hbm>> -> memref<128x32xf32, #tpu.memory_space<hbm>>
    %dma_wait3A_206 = arith.constant 128 : i32
    %dma_wait3A_207 = arith.constant 0 : i32
    %dma_wait3A_208 = tpu.memref_slice %arg12[%dma_wait3A_206, %dma_wait3A_207] : memref<512x32xf32, #tpu.memory_space<vmem>> -> memref<128x32xf32, #tpu.memory_space<vmem>>
    %dma_wait3A_209 = arith.constant 0 : i32
    %dma_wait3A_210 = arith.constant 0 : i32
    %dma_wait3A_211 = tpu.memref_slice %arg4[%dma_wait3A_209, %dma_wait3A_210] : memref<1000000x32xf32, #tpu.memory_space<hbm>> -> memref<128x32xf32, #tpu.memory_space<hbm>>
    tpu.wait_dma2 semaphore(%arg18 : memref<!tpu.dma_semaphore, #tpu.memory_space<semaphore_mem>>) src(%dma_wait3A_211 : memref<128x32xf32, #tpu.memory_space<hbm>>) dst(%dma_wait3A_208 : memref<128x32xf32, #tpu.memory_space<vmem>>)
    %dma_wait3A_212 = arith.constant 128 : i32
    %dma_wait3A_213 = arith.constant 0 : i32
    %dma_wait3A_214 = tpu.memref_slice %arg13[%dma_wait3A_212, %dma_wait3A_213] : memref<512x32xf32, #tpu.memory_space<vmem>> -> memref<128x32xf32, #tpu.memory_space<vmem>>
    %dma_wait3A_215 = arith.constant 0 : i32
    %dma_wait3A_216 = arith.constant 0 : i32
    %dma_wait3A_217 = tpu.memref_slice %arg5[%dma_wait3A_215, %dma_wait3A_216] : memref<1000000x32xf32, #tpu.memory_space<hbm>> -> memref<128x32xf32, #tpu.memory_space<hbm>>
    %dma_wait3A_218 = arith.constant 128 : i32
    %dma_wait3A_219 = arith.constant 0 : i32
    %dma_wait3A_220 = tpu.memref_slice %arg13[%dma_wait3A_218, %dma_wait3A_219] : memref<512x32xf32, #tpu.memory_space<vmem>> -> memref<128x32xf32, #tpu.memory_space<vmem>>
    %dma_wait3A_221 = arith.constant 0 : i32
    %dma_wait3A_222 = arith.constant 0 : i32
    %dma_wait3A_223 = tpu.memref_slice %arg5[%dma_wait3A_221, %dma_wait3A_222] : memref<1000000x32xf32, #tpu.memory_space<hbm>> -> memref<128x32xf32, #tpu.memory_space<hbm>>
    tpu.wait_dma2 semaphore(%arg18 : memref<!tpu.dma_semaphore, #tpu.memory_space<semaphore_mem>>) src(%dma_wait3A_223 : memref<128x32xf32, #tpu.memory_space<hbm>>) dst(%dma_wait3A_220 : memref<128x32xf32, #tpu.memory_space<vmem>>)
    %dma_wait3A_224 = arith.constant 256 : i32
    %dma_wait3A_225 = arith.constant 0 : i32
    %dma_wait3A_226 = tpu.memref_slice %arg12[%dma_wait3A_224, %dma_wait3A_225] : memref<512x32xf32, #tpu.memory_space<vmem>> -> memref<128x32xf32, #tpu.memory_space<vmem>>
    %dma_wait3A_227 = arith.constant 0 : i32
    %dma_wait3A_228 = arith.constant 0 : i32
    %dma_wait3A_229 = tpu.memref_slice %arg4[%dma_wait3A_227, %dma_wait3A_228] : memref<1000000x32xf32, #tpu.memory_space<hbm>> -> memref<128x32xf32, #tpu.memory_space<hbm>>
    %dma_wait3A_230 = arith.constant 256 : i32
    %dma_wait3A_231 = arith.constant 0 : i32
    %dma_wait3A_232 = tpu.memref_slice %arg12[%dma_wait3A_230, %dma_wait3A_231] : memref<512x32xf32, #tpu.memory_space<vmem>> -> memref<128x32xf32, #tpu.memory_space<vmem>>
    %dma_wait3A_233 = arith.constant 0 : i32
    %dma_wait3A_234 = arith.constant 0 : i32
    %dma_wait3A_235 = tpu.memref_slice %arg4[%dma_wait3A_233, %dma_wait3A_234] : memref<1000000x32xf32, #tpu.memory_space<hbm>> -> memref<128x32xf32, #tpu.memory_space<hbm>>
    tpu.wait_dma2 semaphore(%arg18 : memref<!tpu.dma_semaphore, #tpu.memory_space<semaphore_mem>>) src(%dma_wait3A_235 : memref<128x32xf32, #tpu.memory_space<hbm>>) dst(%dma_wait3A_232 : memref<128x32xf32, #tpu.memory_space<vmem>>)
    %dma_wait3A_236 = arith.constant 256 : i32
    %dma_wait3A_237 = arith.constant 0 : i32
    %dma_wait3A_238 = tpu.memref_slice %arg13[%dma_wait3A_236, %dma_wait3A_237] : memref<512x32xf32, #tpu.memory_space<vmem>> -> memref<128x32xf32, #tpu.memory_space<vmem>>
    %dma_wait3A_239 = arith.constant 0 : i32
    %dma_wait3A_240 = arith.constant 0 : i32
    %dma_wait3A_241 = tpu.memref_slice %arg5[%dma_wait3A_239, %dma_wait3A_240] : memref<1000000x32xf32, #tpu.memory_space<hbm>> -> memref<128x32xf32, #tpu.memory_space<hbm>>
    %dma_wait3A_242 = arith.constant 256 : i32
    %dma_wait3A_243 = arith.constant 0 : i32
    %dma_wait3A_244 = tpu.memref_slice %arg13[%dma_wait3A_242, %dma_wait3A_243] : memref<512x32xf32, #tpu.memory_space<vmem>> -> memref<128x32xf32, #tpu.memory_space<vmem>>
    %dma_wait3A_245 = arith.constant 0 : i32
    %dma_wait3A_246 = arith.constant 0 : i32
    %dma_wait3A_247 = tpu.memref_slice %arg5[%dma_wait3A_245, %dma_wait3A_246] : memref<1000000x32xf32, #tpu.memory_space<hbm>> -> memref<128x32xf32, #tpu.memory_space<hbm>>
    tpu.wait_dma2 semaphore(%arg18 : memref<!tpu.dma_semaphore, #tpu.memory_space<semaphore_mem>>) src(%dma_wait3A_247 : memref<128x32xf32, #tpu.memory_space<hbm>>) dst(%dma_wait3A_244 : memref<128x32xf32, #tpu.memory_space<vmem>>)
    %dma_wait3A_248 = arith.constant 384 : i32
    %dma_wait3A_249 = arith.constant 0 : i32
    %dma_wait3A_250 = tpu.memref_slice %arg12[%dma_wait3A_248, %dma_wait3A_249] : memref<512x32xf32, #tpu.memory_space<vmem>> -> memref<128x32xf32, #tpu.memory_space<vmem>>
    %dma_wait3A_251 = arith.constant 0 : i32
    %dma_wait3A_252 = arith.constant 0 : i32
    %dma_wait3A_253 = tpu.memref_slice %arg4[%dma_wait3A_251, %dma_wait3A_252] : memref<1000000x32xf32, #tpu.memory_space<hbm>> -> memref<128x32xf32, #tpu.memory_space<hbm>>
    %dma_wait3A_254 = arith.constant 384 : i32
    %dma_wait3A_255 = arith.constant 0 : i32
    %dma_wait3A_256 = tpu.memref_slice %arg12[%dma_wait3A_254, %dma_wait3A_255] : memref<512x32xf32, #tpu.memory_space<vmem>> -> memref<128x32xf32, #tpu.memory_space<vmem>>
    %dma_wait3A_257 = arith.constant 0 : i32
    %dma_wait3A_258 = arith.constant 0 : i32
    %dma_wait3A_259 = tpu.memref_slice %arg4[%dma_wait3A_257, %dma_wait3A_258] : memref<1000000x32xf32, #tpu.memory_space<hbm>> -> memref<128x32xf32, #tpu.memory_space<hbm>>
    tpu.wait_dma2 semaphore(%arg18 : memref<!tpu.dma_semaphore, #tpu.memory_space<semaphore_mem>>) src(%dma_wait3A_259 : memref<128x32xf32, #tpu.memory_space<hbm>>) dst(%dma_wait3A_256 : memref<128x32xf32, #tpu.memory_space<vmem>>)
    %dma_wait3A_260 = arith.constant 384 : i32
    %dma_wait3A_261 = arith.constant 0 : i32
    %dma_wait3A_262 = tpu.memref_slice %arg13[%dma_wait3A_260, %dma_wait3A_261] : memref<512x32xf32, #tpu.memory_space<vmem>> -> memref<128x32xf32, #tpu.memory_space<vmem>>
    %dma_wait3A_263 = arith.constant 0 : i32
    %dma_wait3A_264 = arith.constant 0 : i32
    %dma_wait3A_265 = tpu.memref_slice %arg5[%dma_wait3A_263, %dma_wait3A_264] : memref<1000000x32xf32, #tpu.memory_space<hbm>> -> memref<128x32xf32, #tpu.memory_space<hbm>>
    %dma_wait3A_266 = arith.constant 384 : i32
    %dma_wait3A_267 = arith.constant 0 : i32
    %dma_wait3A_268 = tpu.memref_slice %arg13[%dma_wait3A_266, %dma_wait3A_267] : memref<512x32xf32, #tpu.memory_space<vmem>> -> memref<128x32xf32, #tpu.memory_space<vmem>>
    %dma_wait3A_269 = arith.constant 0 : i32
    %dma_wait3A_270 = arith.constant 0 : i32
    %dma_wait3A_271 = tpu.memref_slice %arg5[%dma_wait3A_269, %dma_wait3A_270] : memref<1000000x32xf32, #tpu.memory_space<hbm>> -> memref<128x32xf32, #tpu.memory_space<hbm>>
    tpu.wait_dma2 semaphore(%arg18 : memref<!tpu.dma_semaphore, #tpu.memory_space<semaphore_mem>>) src(%dma_wait3A_271 : memref<128x32xf32, #tpu.memory_space<hbm>>) dst(%dma_wait3A_268 : memref<128x32xf32, #tpu.memory_space<vmem>>)
    %get3A = arith.constant 0 : index
    %get3A_272 = tpu.vector_load %arg16[%get3A] {strides = array<i32>} : memref<128xf32, #tpu.memory_space<vmem>>, vector<16xf32>,
    %iota3A = tpu.iota {dimensions = array<i32: 0>} : vector<16xi32>
    %scan3A = arith.constant 0 : i32
    %scan3A_273 = arith.constant 0 : i32
    %scan3A_274 = arith.constant 32 : i32
    %scan3A_275 = arith.addi %scan3A_273, %scan3A_274 : i32
    %scan3A_276 = arith.constant 1 : i32
    %scan3A_277 = scf.for %scan3A_279 = %scan3A_273 to %scan3A_275 step %scan3A_276 iter_args(%scan3A_280 = %scan3A) -> (i32)  : i32 {
      %mul3A_281 = arith.constant 16 : i32
      %mul3A_282 = arith.muli %scan3A_279, %mul3A_281 : i32
      %mul3A_283 = arith.constant 16 : i32
      %mul3A_284 = arith.muli %scan3A_279, %mul3A_283 : i32
      %add3A_285 = vector.broadcast %mul3A_284 : i32 to vector<16xi32>
      %add3A_286 = arith.addi %add3A_285, %iota3A : vector<16xi32>
      %get3A_287 = arith.index_cast %mul3A_282 : i32 to index
      %get3A_288 = tpu.vector_load %arg14[%get3A_287] {strides = array<i32>} : memref<512xf32, #tpu.memory_space<vmem>>, vector<16xf32>,
      %add3A_289 = arith.addf %get3A_272, %get3A_288 : vector<16xf32>
      %get3A_290 = arith.index_cast %mul3A_282 : i32 to index
      %get3A_291 = tpu.vector_load %arg15[%get3A_290] {strides = array<i32>} : memref<512xf32, #tpu.memory_space<vmem>>, vector<16xf32>,
      %add3A_292 = arith.addf %add3A_289, %get3A_291 : vector<16xf32>
      %broadcast_in_dim3A = arith.constant 0 : i32
      %broadcast_in_dim3A_293 = vector.broadcast %broadcast_in_dim3A : i32 to vector<16xi32>
      %gather3A = tpu.vector_load_idx %arg12[%add3A_286, %broadcast_in_dim3A_293] : memref<512x32xf32, #tpu.memory_space<vmem>>[vector<16xi32>, vector<16xi32>], vector<16xf32>,
      %gather3A_294 = tpu.vector_load_idx %arg13[%add3A_286, %broadcast_in_dim3A_293] : memref<512x32xf32, #tpu.memory_space<vmem>>[vector<16xi32>, vector<16xi32>], vector<16xf32>,
      %mul3A_295 = arith.mulf %gather3A, %gather3A_294 : vector<16xf32>
      %add3A_296 = arith.addf %add3A_292, %mul3A_295 : vector<16xf32>
      %broadcast_in_dim3A_297 = arith.constant 1 : i32
      %broadcast_in_dim3A_298 = vector.broadcast %broadcast_in_dim3A_297 : i32 to vector<16xi32>
      %gather3A_299 = tpu.vector_load_idx %arg12[%add3A_286, %broadcast_in_dim3A_298] : memref<512x32xf32, #tpu.memory_space<vmem>>[vector<16xi32>, vector<16xi32>], vector<16xf32>,
      %gather3A_300 = tpu.vector_load_idx %arg13[%add3A_286, %broadcast_in_dim3A_298] : memref<512x32xf32, #tpu.memory_space<vmem>>[vector<16xi32>, vector<16xi32>], vector<16xf32>,
      %mul3A_301 = arith.mulf %gather3A_299, %gather3A_300 : vector<16xf32>
      %add3A_302 = arith.addf %add3A_296, %mul3A_301 : vector<16xf32>
      %broadcast_in_dim3A_303 = arith.constant 2 : i32
      %broadcast_in_dim3A_304 = vector.broadcast %broadcast_in_dim3A_303 : i32 to vector<16xi32>
      %gather3A_305 = tpu.vector_load_idx %arg12[%add3A_286, %broadcast_in_dim3A_304] : memref<512x32xf32, #tpu.memory_space<vmem>>[vector<16xi32>, vector<16xi32>], vector<16xf32>,
      %gather3A_306 = tpu.vector_load_idx %arg13[%add3A_286, %broadcast_in_dim3A_304] : memref<512x32xf32, #tpu.memory_space<vmem>>[vector<16xi32>, vector<16xi32>], vector<16xf32>,
      %mul3A_307 = arith.mulf %gather3A_305, %gather3A_306 : vector<16xf32>
      %add3A_308 = arith.addf %add3A_302, %mul3A_307 : vector<16xf32>
      %broadcast_in_dim3A_309 = arith.constant 3 : i32
      %broadcast_in_dim3A_310 = vector.broadcast %broadcast_in_dim3A_309 : i32 to vector<16xi32>
      %gather3A_311 = tpu.vector_load_idx %arg12[%add3A_286, %broadcast_in_dim3A_310] : memref<512x32xf32, #tpu.memory_space<vmem>>[vector<16xi32>, vector<16xi32>], vector<16xf32>,
      %gather3A_312 = tpu.vector_load_idx %arg13[%add3A_286, %broadcast_in_dim3A_310] : memref<512x32xf32, #tpu.memory_space<vmem>>[vector<16xi32>, vector<16xi32>], vector<16xf32>,
      %mul3A_313 = arith.mulf %gather3A_311, %gather3A_312 : vector<16xf32>
      %add3A_314 = arith.addf %add3A_308, %mul3A_313 : vector<16xf32>
      %broadcast_in_dim3A_315 = arith.constant 4 : i32
      %broadcast_in_dim3A_316 = vector.broadcast %broadcast_in_dim3A_315 : i32 to vector<16xi32>
      %gather3A_317 = tpu.vector_load_idx %arg12[%add3A_286, %broadcast_in_dim3A_316] : memref<512x32xf32, #tpu.memory_space<vmem>>[vector<16xi32>, vector<16xi32>], vector<16xf32>,
      %gather3A_318 = tpu.vector_load_idx %arg13[%add3A_286, %broadcast_in_dim3A_316] : memref<512x32xf32, #tpu.memory_space<vmem>>[vector<16xi32>, vector<16xi32>], vector<16xf32>,
      %mul3A_319 = arith.mulf %gather3A_317, %gather3A_318 : vector<16xf32>
      %add3A_320 = arith.addf %add3A_314, %mul3A_319 : vector<16xf32>
      %broadcast_in_dim3A_321 = arith.constant 5 : i32
      %broadcast_in_dim3A_322 = vector.broadcast %broadcast_in_dim3A_321 : i32 to vector<16xi32>
      %gather3A_323 = tpu.vector_load_idx %arg12[%add3A_286, %broadcast_in_dim3A_322] : memref<512x32xf32, #tpu.memory_space<vmem>>[vector<16xi32>, vector<16xi32>], vector<16xf32>,
      %gather3A_324 = tpu.vector_load_idx %arg13[%add3A_286, %broadcast_in_dim3A_322] : memref<512x32xf32, #tpu.memory_space<vmem>>[vector<16xi32>, vector<16xi32>], vector<16xf32>,
      %mul3A_325 = arith.mulf %gather3A_323, %gather3A_324 : vector<16xf32>
      %add3A_326 = arith.addf %add3A_320, %mul3A_325 : vector<16xf32>
      %broadcast_in_dim3A_327 = arith.constant 6 : i32
      %broadcast_in_dim3A_328 = vector.broadcast %broadcast_in_dim3A_327 : i32 to vector<16xi32>
      %gather3A_329 = tpu.vector_load_idx %arg12[%add3A_286, %broadcast_in_dim3A_328] : memref<512x32xf32, #tpu.memory_space<vmem>>[vector<16xi32>, vector<16xi32>], vector<16xf32>,
      %gather3A_330 = tpu.vector_load_idx %arg13[%add3A_286, %broadcast_in_dim3A_328] : memref<512x32xf32, #tpu.memory_space<vmem>>[vector<16xi32>, vector<16xi32>], vector<16xf32>,
      %mul3A_331 = arith.mulf %gather3A_329, %gather3A_330 : vector<16xf32>
      %add3A_332 = arith.addf %add3A_326, %mul3A_331 : vector<16xf32>
      %broadcast_in_dim3A_333 = arith.constant 7 : i32
      %broadcast_in_dim3A_334 = vector.broadcast %broadcast_in_dim3A_333 : i32 to vector<16xi32>
      %gather3A_335 = tpu.vector_load_idx %arg12[%add3A_286, %broadcast_in_dim3A_334] : memref<512x32xf32, #tpu.memory_space<vmem>>[vector<16xi32>, vector<16xi32>], vector<16xf32>,
      %gather3A_336 = tpu.vector_load_idx %arg13[%add3A_286, %broadcast_in_dim3A_334] : memref<512x32xf32, #tpu.memory_space<vmem>>[vector<16xi32>, vector<16xi32>], vector<16xf32>,
      %mul3A_337 = arith.mulf %gather3A_335, %gather3A_336 : vector<16xf32>
      %add3A_338 = arith.addf %add3A_332, %mul3A_337 : vector<16xf32>
      %broadcast_in_dim3A_339 = arith.constant 8 : i32
      %broadcast_in_dim3A_340 = vector.broadcast %broadcast_in_dim3A_339 : i32 to vector<16xi32>
      %gather3A_341 = tpu.vector_load_idx %arg12[%add3A_286, %broadcast_in_dim3A_340] : memref<512x32xf32, #tpu.memory_space<vmem>>[vector<16xi32>, vector<16xi32>], vector<16xf32>,
      %gather3A_342 = tpu.vector_load_idx %arg13[%add3A_286, %broadcast_in_dim3A_340] : memref<512x32xf32, #tpu.memory_space<vmem>>[vector<16xi32>, vector<16xi32>], vector<16xf32>,
      %mul3A_343 = arith.mulf %gather3A_341, %gather3A_342 : vector<16xf32>
      %add3A_344 = arith.addf %add3A_338, %mul3A_343 : vector<16xf32>
      %broadcast_in_dim3A_345 = arith.constant 9 : i32
      %broadcast_in_dim3A_346 = vector.broadcast %broadcast_in_dim3A_345 : i32 to vector<16xi32>
      %gather3A_347 = tpu.vector_load_idx %arg12[%add3A_286, %broadcast_in_dim3A_346] : memref<512x32xf32, #tpu.memory_space<vmem>>[vector<16xi32>, vector<16xi32>], vector<16xf32>,
      %gather3A_348 = tpu.vector_load_idx %arg13[%add3A_286, %broadcast_in_dim3A_346] : memref<512x32xf32, #tpu.memory_space<vmem>>[vector<16xi32>, vector<16xi32>], vector<16xf32>,
      %mul3A_349 = arith.mulf %gather3A_347, %gather3A_348 : vector<16xf32>
      %add3A_350 = arith.addf %add3A_344, %mul3A_349 : vector<16xf32>
      %broadcast_in_dim3A_351 = arith.constant 10 : i32
      %broadcast_in_dim3A_352 = vector.broadcast %broadcast_in_dim3A_351 : i32 to vector<16xi32>
      %gather3A_353 = tpu.vector_load_idx %arg12[%add3A_286, %broadcast_in_dim3A_352] : memref<512x32xf32, #tpu.memory_space<vmem>>[vector<16xi32>, vector<16xi32>], vector<16xf32>,
      %gather3A_354 = tpu.vector_load_idx %arg13[%add3A_286, %broadcast_in_dim3A_352] : memref<512x32xf32, #tpu.memory_space<vmem>>[vector<16xi32>, vector<16xi32>], vector<16xf32>,
      %mul3A_355 = arith.mulf %gather3A_353, %gather3A_354 : vector<16xf32>
      %add3A_356 = arith.addf %add3A_350, %mul3A_355 : vector<16xf32>
      %broadcast_in_dim3A_357 = arith.constant 11 : i32
      %broadcast_in_dim3A_358 = vector.broadcast %broadcast_in_dim3A_357 : i32 to vector<16xi32>
      %gather3A_359 = tpu.vector_load_idx %arg12[%add3A_286, %broadcast_in_dim3A_358] : memref<512x32xf32, #tpu.memory_space<vmem>>[vector<16xi32>, vector<16xi32>], vector<16xf32>,
      %gather3A_360 = tpu.vector_load_idx %arg13[%add3A_286, %broadcast_in_dim3A_358] : memref<512x32xf32, #tpu.memory_space<vmem>>[vector<16xi32>, vector<16xi32>], vector<16xf32>,
      %mul3A_361 = arith.mulf %gather3A_359, %gather3A_360 : vector<16xf32>
      %add3A_362 = arith.addf %add3A_356, %mul3A_361 : vector<16xf32>
      %broadcast_in_dim3A_363 = arith.constant 12 : i32
      %broadcast_in_dim3A_364 = vector.broadcast %broadcast_in_dim3A_363 : i32 to vector<16xi32>
      %gather3A_365 = tpu.vector_load_idx %arg12[%add3A_286, %broadcast_in_dim3A_364] : memref<512x32xf32, #tpu.memory_space<vmem>>[vector<16xi32>, vector<16xi32>], vector<16xf32>,
      %gather3A_366 = tpu.vector_load_idx %arg13[%add3A_286, %broadcast_in_dim3A_364] : memref<512x32xf32, #tpu.memory_space<vmem>>[vector<16xi32>, vector<16xi32>], vector<16xf32>,
      %mul3A_367 = arith.mulf %gather3A_365, %gather3A_366 : vector<16xf32>
      %add3A_368 = arith.addf %add3A_362, %mul3A_367 : vector<16xf32>
      %broadcast_in_dim3A_369 = arith.constant 13 : i32
      %broadcast_in_dim3A_370 = vector.broadcast %broadcast_in_dim3A_369 : i32 to vector<16xi32>
      %gather3A_371 = tpu.vector_load_idx %arg12[%add3A_286, %broadcast_in_dim3A_370] : memref<512x32xf32, #tpu.memory_space<vmem>>[vector<16xi32>, vector<16xi32>], vector<16xf32>,
      %gather3A_372 = tpu.vector_load_idx %arg13[%add3A_286, %broadcast_in_dim3A_370] : memref<512x32xf32, #tpu.memory_space<vmem>>[vector<16xi32>, vector<16xi32>], vector<16xf32>,
      %mul3A_373 = arith.mulf %gather3A_371, %gather3A_372 : vector<16xf32>
      %add3A_374 = arith.addf %add3A_368, %mul3A_373 : vector<16xf32>
      %broadcast_in_dim3A_375 = arith.constant 14 : i32
      %broadcast_in_dim3A_376 = vector.broadcast %broadcast_in_dim3A_375 : i32 to vector<16xi32>
      %gather3A_377 = tpu.vector_load_idx %arg12[%add3A_286, %broadcast_in_dim3A_376] : memref<512x32xf32, #tpu.memory_space<vmem>>[vector<16xi32>, vector<16xi32>], vector<16xf32>,
      %gather3A_378 = tpu.vector_load_idx %arg13[%add3A_286, %broadcast_in_dim3A_376] : memref<512x32xf32, #tpu.memory_space<vmem>>[vector<16xi32>, vector<16xi32>], vector<16xf32>,
      %mul3A_379 = arith.mulf %gather3A_377, %gather3A_378 : vector<16xf32>
      %add3A_380 = arith.addf %add3A_374, %mul3A_379 : vector<16xf32>
      %broadcast_in_dim3A_381 = arith.constant 15 : i32
      %broadcast_in_dim3A_382 = vector.broadcast %broadcast_in_dim3A_381 : i32 to vector<16xi32>
      %gather3A_383 = tpu.vector_load_idx %arg12[%add3A_286, %broadcast_in_dim3A_382] : memref<512x32xf32, #tpu.memory_space<vmem>>[vector<16xi32>, vector<16xi32>], vector<16xf32>,
      %gather3A_384 = tpu.vector_load_idx %arg13[%add3A_286, %broadcast_in_dim3A_382] : memref<512x32xf32, #tpu.memory_space<vmem>>[vector<16xi32>, vector<16xi32>], vector<16xf32>,
      %mul3A_385 = arith.mulf %gather3A_383, %gather3A_384 : vector<16xf32>
      %add3A_386 = arith.addf %add3A_380, %mul3A_385 : vector<16xf32>
      %broadcast_in_dim3A_387 = arith.constant 16 : i32
      %broadcast_in_dim3A_388 = vector.broadcast %broadcast_in_dim3A_387 : i32 to vector<16xi32>
      %gather3A_389 = tpu.vector_load_idx %arg12[%add3A_286, %broadcast_in_dim3A_388] : memref<512x32xf32, #tpu.memory_space<vmem>>[vector<16xi32>, vector<16xi32>], vector<16xf32>,
      %gather3A_390 = tpu.vector_load_idx %arg13[%add3A_286, %broadcast_in_dim3A_388] : memref<512x32xf32, #tpu.memory_space<vmem>>[vector<16xi32>, vector<16xi32>], vector<16xf32>,
      %mul3A_391 = arith.mulf %gather3A_389, %gather3A_390 : vector<16xf32>
      %add3A_392 = arith.addf %add3A_386, %mul3A_391 : vector<16xf32>
      %broadcast_in_dim3A_393 = arith.constant 17 : i32
      %broadcast_in_dim3A_394 = vector.broadcast %broadcast_in_dim3A_393 : i32 to vector<16xi32>
      %gather3A_395 = tpu.vector_load_idx %arg12[%add3A_286, %broadcast_in_dim3A_394] : memref<512x32xf32, #tpu.memory_space<vmem>>[vector<16xi32>, vector<16xi32>], vector<16xf32>,
      %gather3A_396 = tpu.vector_load_idx %arg13[%add3A_286, %broadcast_in_dim3A_394] : memref<512x32xf32, #tpu.memory_space<vmem>>[vector<16xi32>, vector<16xi32>], vector<16xf32>,
      %mul3A_397 = arith.mulf %gather3A_395, %gather3A_396 : vector<16xf32>
      %add3A_398 = arith.addf %add3A_392, %mul3A_397 : vector<16xf32>
      %broadcast_in_dim3A_399 = arith.constant 18 : i32
      %broadcast_in_dim3A_400 = vector.broadcast %broadcast_in_dim3A_399 : i32 to vector<16xi32>
      %gather3A_401 = tpu.vector_load_idx %arg12[%add3A_286, %broadcast_in_dim3A_400] : memref<512x32xf32, #tpu.memory_space<vmem>>[vector<16xi32>, vector<16xi32>], vector<16xf32>,
      %gather3A_402 = tpu.vector_load_idx %arg13[%add3A_286, %broadcast_in_dim3A_400] : memref<512x32xf32, #tpu.memory_space<vmem>>[vector<16xi32>, vector<16xi32>], vector<16xf32>,
      %mul3A_403 = arith.mulf %gather3A_401, %gather3A_402 : vector<16xf32>
      %add3A_404 = arith.addf %add3A_398, %mul3A_403 : vector<16xf32>
      %broadcast_in_dim3A_405 = arith.constant 19 : i32
      %broadcast_in_dim3A_406 = vector.broadcast %broadcast_in_dim3A_405 : i32 to vector<16xi32>
      %gather3A_407 = tpu.vector_load_idx %arg12[%add3A_286, %broadcast_in_dim3A_406] : memref<512x32xf32, #tpu.memory_space<vmem>>[vector<16xi32>, vector<16xi32>], vector<16xf32>,
      %gather3A_408 = tpu.vector_load_idx %arg13[%add3A_286, %broadcast_in_dim3A_406] : memref<512x32xf32, #tpu.memory_space<vmem>>[vector<16xi32>, vector<16xi32>], vector<16xf32>,
      %mul3A_409 = arith.mulf %gather3A_407, %gather3A_408 : vector<16xf32>
      %add3A_410 = arith.addf %add3A_404, %mul3A_409 : vector<16xf32>
      %broadcast_in_dim3A_411 = arith.constant 20 : i32
      %broadcast_in_dim3A_412 = vector.broadcast %broadcast_in_dim3A_411 : i32 to vector<16xi32>
      %gather3A_413 = tpu.vector_load_idx %arg12[%add3A_286, %broadcast_in_dim3A_412] : memref<512x32xf32, #tpu.memory_space<vmem>>[vector<16xi32>, vector<16xi32>], vector<16xf32>,
      %gather3A_414 = tpu.vector_load_idx %arg13[%add3A_286, %broadcast_in_dim3A_412] : memref<512x32xf32, #tpu.memory_space<vmem>>[vector<16xi32>, vector<16xi32>], vector<16xf32>,
      %mul3A_415 = arith.mulf %gather3A_413, %gather3A_414 : vector<16xf32>
      %add3A_416 = arith.addf %add3A_410, %mul3A_415 : vector<16xf32>
      %broadcast_in_dim3A_417 = arith.constant 21 : i32
      %broadcast_in_dim3A_418 = vector.broadcast %broadcast_in_dim3A_417 : i32 to vector<16xi32>
      %gather3A_419 = tpu.vector_load_idx %arg12[%add3A_286, %broadcast_in_dim3A_418] : memref<512x32xf32, #tpu.memory_space<vmem>>[vector<16xi32>, vector<16xi32>], vector<16xf32>,
      %gather3A_420 = tpu.vector_load_idx %arg13[%add3A_286, %broadcast_in_dim3A_418] : memref<512x32xf32, #tpu.memory_space<vmem>>[vector<16xi32>, vector<16xi32>], vector<16xf32>,
      %mul3A_421 = arith.mulf %gather3A_419, %gather3A_420 : vector<16xf32>
      %add3A_422 = arith.addf %add3A_416, %mul3A_421 : vector<16xf32>
      %broadcast_in_dim3A_423 = arith.constant 22 : i32
      %broadcast_in_dim3A_424 = vector.broadcast %broadcast_in_dim3A_423 : i32 to vector<16xi32>
      %gather3A_425 = tpu.vector_load_idx %arg12[%add3A_286, %broadcast_in_dim3A_424] : memref<512x32xf32, #tpu.memory_space<vmem>>[vector<16xi32>, vector<16xi32>], vector<16xf32>,
      %gather3A_426 = tpu.vector_load_idx %arg13[%add3A_286, %broadcast_in_dim3A_424] : memref<512x32xf32, #tpu.memory_space<vmem>>[vector<16xi32>, vector<16xi32>], vector<16xf32>,
      %mul3A_427 = arith.mulf %gather3A_425, %gather3A_426 : vector<16xf32>
      %add3A_428 = arith.addf %add3A_422, %mul3A_427 : vector<16xf32>
      %broadcast_in_dim3A_429 = arith.constant 23 : i32
      %broadcast_in_dim3A_430 = vector.broadcast %broadcast_in_dim3A_429 : i32 to vector<16xi32>
      %gather3A_431 = tpu.vector_load_idx %arg12[%add3A_286, %broadcast_in_dim3A_430] : memref<512x32xf32, #tpu.memory_space<vmem>>[vector<16xi32>, vector<16xi32>], vector<16xf32>,
      %gather3A_432 = tpu.vector_load_idx %arg13[%add3A_286, %broadcast_in_dim3A_430] : memref<512x32xf32, #tpu.memory_space<vmem>>[vector<16xi32>, vector<16xi32>], vector<16xf32>,
      %mul3A_433 = arith.mulf %gather3A_431, %gather3A_432 : vector<16xf32>
      %add3A_434 = arith.addf %add3A_428, %mul3A_433 : vector<16xf32>
      %broadcast_in_dim3A_435 = arith.constant 24 : i32
      %broadcast_in_dim3A_436 = vector.broadcast %broadcast_in_dim3A_435 : i32 to vector<16xi32>
      %gather3A_437 = tpu.vector_load_idx %arg12[%add3A_286, %broadcast_in_dim3A_436] : memref<512x32xf32, #tpu.memory_space<vmem>>[vector<16xi32>, vector<16xi32>], vector<16xf32>,
      %gather3A_438 = tpu.vector_load_idx %arg13[%add3A_286, %broadcast_in_dim3A_436] : memref<512x32xf32, #tpu.memory_space<vmem>>[vector<16xi32>, vector<16xi32>], vector<16xf32>,
      %mul3A_439 = arith.mulf %gather3A_437, %gather3A_438 : vector<16xf32>
      %add3A_440 = arith.addf %add3A_434, %mul3A_439 : vector<16xf32>
      %broadcast_in_dim3A_441 = arith.constant 25 : i32
      %broadcast_in_dim3A_442 = vector.broadcast %broadcast_in_dim3A_441 : i32 to vector<16xi32>
      %gather3A_443 = tpu.vector_load_idx %arg12[%add3A_286, %broadcast_in_dim3A_442] : memref<512x32xf32, #tpu.memory_space<vmem>>[vector<16xi32>, vector<16xi32>], vector<16xf32>,
      %gather3A_444 = tpu.vector_load_idx %arg13[%add3A_286, %broadcast_in_dim3A_442] : memref<512x32xf32, #tpu.memory_space<vmem>>[vector<16xi32>, vector<16xi32>], vector<16xf32>,
      %mul3A_445 = arith.mulf %gather3A_443, %gather3A_444 : vector<16xf32>
      %add3A_446 = arith.addf %add3A_440, %mul3A_445 : vector<16xf32>
      %broadcast_in_dim3A_447 = arith.constant 26 : i32
      %broadcast_in_dim3A_448 = vector.broadcast %broadcast_in_dim3A_447 : i32 to vector<16xi32>
      %gather3A_449 = tpu.vector_load_idx %arg12[%add3A_286, %broadcast_in_dim3A_448] : memref<512x32xf32, #tpu.memory_space<vmem>>[vector<16xi32>, vector<16xi32>], vector<16xf32>,
      %gather3A_450 = tpu.vector_load_idx %arg13[%add3A_286, %broadcast_in_dim3A_448] : memref<512x32xf32, #tpu.memory_space<vmem>>[vector<16xi32>, vector<16xi32>], vector<16xf32>,
      %mul3A_451 = arith.mulf %gather3A_449, %gather3A_450 : vector<16xf32>
      %add3A_452 = arith.addf %add3A_446, %mul3A_451 : vector<16xf32>
      %broadcast_in_dim3A_453 = arith.constant 27 : i32
      %broadcast_in_dim3A_454 = vector.broadcast %broadcast_in_dim3A_453 : i32 to vector<16xi32>
      %gather3A_455 = tpu.vector_load_idx %arg12[%add3A_286, %broadcast_in_dim3A_454] : memref<512x32xf32, #tpu.memory_space<vmem>>[vector<16xi32>, vector<16xi32>], vector<16xf32>,
      %gather3A_456 = tpu.vector_load_idx %arg13[%add3A_286, %broadcast_in_dim3A_454] : memref<512x32xf32, #tpu.memory_space<vmem>>[vector<16xi32>, vector<16xi32>], vector<16xf32>,
      %mul3A_457 = arith.mulf %gather3A_455, %gather3A_456 : vector<16xf32>
      %add3A_458 = arith.addf %add3A_452, %mul3A_457 : vector<16xf32>
      %broadcast_in_dim3A_459 = arith.constant 28 : i32
      %broadcast_in_dim3A_460 = vector.broadcast %broadcast_in_dim3A_459 : i32 to vector<16xi32>
      %gather3A_461 = tpu.vector_load_idx %arg12[%add3A_286, %broadcast_in_dim3A_460] : memref<512x32xf32, #tpu.memory_space<vmem>>[vector<16xi32>, vector<16xi32>], vector<16xf32>,
      %gather3A_462 = tpu.vector_load_idx %arg13[%add3A_286, %broadcast_in_dim3A_460] : memref<512x32xf32, #tpu.memory_space<vmem>>[vector<16xi32>, vector<16xi32>], vector<16xf32>,
      %mul3A_463 = arith.mulf %gather3A_461, %gather3A_462 : vector<16xf32>
      %add3A_464 = arith.addf %add3A_458, %mul3A_463 : vector<16xf32>
      %broadcast_in_dim3A_465 = arith.constant 29 : i32
      %broadcast_in_dim3A_466 = vector.broadcast %broadcast_in_dim3A_465 : i32 to vector<16xi32>
      %gather3A_467 = tpu.vector_load_idx %arg12[%add3A_286, %broadcast_in_dim3A_466] : memref<512x32xf32, #tpu.memory_space<vmem>>[vector<16xi32>, vector<16xi32>], vector<16xf32>,
      %gather3A_468 = tpu.vector_load_idx %arg13[%add3A_286, %broadcast_in_dim3A_466] : memref<512x32xf32, #tpu.memory_space<vmem>>[vector<16xi32>, vector<16xi32>], vector<16xf32>,
      %mul3A_469 = arith.mulf %gather3A_467, %gather3A_468 : vector<16xf32>
      %add3A_470 = arith.addf %add3A_464, %mul3A_469 : vector<16xf32>
      %broadcast_in_dim3A_471 = arith.constant 30 : i32
      %broadcast_in_dim3A_472 = vector.broadcast %broadcast_in_dim3A_471 : i32 to vector<16xi32>
      %gather3A_473 = tpu.vector_load_idx %arg12[%add3A_286, %broadcast_in_dim3A_472] : memref<512x32xf32, #tpu.memory_space<vmem>>[vector<16xi32>, vector<16xi32>], vector<16xf32>,
      %gather3A_474 = tpu.vector_load_idx %arg13[%add3A_286, %broadcast_in_dim3A_472] : memref<512x32xf32, #tpu.memory_space<vmem>>[vector<16xi32>, vector<16xi32>], vector<16xf32>,
      %mul3A_475 = arith.mulf %gather3A_473, %gather3A_474 : vector<16xf32>
      %add3A_476 = arith.addf %add3A_470, %mul3A_475 : vector<16xf32>
      %broadcast_in_dim3A_477 = arith.constant 31 : i32
      %broadcast_in_dim3A_478 = vector.broadcast %broadcast_in_dim3A_477 : i32 to vector<16xi32>
      %gather3A_479 = tpu.vector_load_idx %arg12[%add3A_286, %broadcast_in_dim3A_478] : memref<512x32xf32, #tpu.memory_space<vmem>>[vector<16xi32>, vector<16xi32>], vector<16xf32>,
      %gather3A_480 = tpu.vector_load_idx %arg13[%add3A_286, %broadcast_in_dim3A_478] : memref<512x32xf32, #tpu.memory_space<vmem>>[vector<16xi32>, vector<16xi32>], vector<16xf32>,
      %mul3A_481 = arith.mulf %gather3A_479, %gather3A_480 : vector<16xf32>
      %add3A_482 = arith.addf %add3A_476, %mul3A_481 : vector<16xf32>
      %swap3A = arith.index_cast %mul3A_282 : i32 to index
      %swap3A_483 = tpu.vector_load %arg17[%swap3A] {strides = array<i32>} : memref<512xf32, #tpu.memory_space<vmem>>, vector<16xf32>,
      tpu.vector_store %arg17[%swap3A], %add3A_482 {strides = array<i32>} : memref<512xf32, #tpu.memory_space<vmem>>, vector<16xf32>,
      %scan3A_484 = arith.constant 0 : i32
      scf.yield %scan3A_484 : i32
    }
    %scan3A_278 = arith.constant 32 : i32
    "tpu.region"() ({
      %run_scoped3A_279 = tpu.sem_alloc : memref<!tpu.dma_semaphore, #tpu.memory_space<semaphore_mem>>
      %dma_start3A_280 = tpu.memref_slice %arg9[%mul3A_2] : memref<16384xf32, #tpu.memory_space<hbm>> -> memref<512xf32, #tpu.memory_space<hbm>>
      %dma_start3A_281 = tpu.memref_slice %arg9[%mul3A_2] : memref<16384xf32, #tpu.memory_space<hbm>> -> memref<512xf32, #tpu.memory_space<hbm>>
      tpu.enqueue_dma source(%arg17 : memref<512xf32, #tpu.memory_space<vmem>>) target(%dma_start3A_281 : memref<512xf32, #tpu.memory_space<hbm>>) target_semaphore(%run_scoped3A_279 : memref<!tpu.dma_semaphore, #tpu.memory_space<semaphore_mem>>)
      %dma_wait3A_282 = tpu.memref_slice %arg9[%mul3A_2] : memref<16384xf32, #tpu.memory_space<hbm>> -> memref<512xf32, #tpu.memory_space<hbm>>
      %dma_wait3A_283 = tpu.memref_slice %arg9[%mul3A_2] : memref<16384xf32, #tpu.memory_space<hbm>> -> memref<512xf32, #tpu.memory_space<hbm>>
      tpu.wait_dma2 semaphore(%run_scoped3A_279 : memref<!tpu.dma_semaphore, #tpu.memory_space<semaphore_mem>>) src(%arg17 : memref<512xf32, #tpu.memory_space<vmem>>) dst(%dma_wait3A_283 : memref<512xf32, #tpu.memory_space<hbm>>)
      tpu.yield
    }) : () -> ()
    return
  }
}

</mosaic_0001>

<sc_bundles>
// kernel: kernel.3.cloned.1.call-start
scs
__scs_entry_jumppad:
0x0: {  	(pc) =	sbr.rel $0x88, $3  }
0x1: {  	(tag) =	ssettag $0x0;
	lr =	simm.s32 $0x1  }
0x2: {  	[smem:$0x3F9A] =	sst lr;
	_ =	strace $0xD0000000  }
0x3: {  	_ = 	snop  }
0x4: {  	_ = 	snop  }
0x5: {  	_ = 	snop  }
0x6: {  	_ = 	snop  }
0x7: {  	_ = 	snop  }
__scs_overlays_trampoline_lowered:
0x8: {  	[smem:$0x3FA9] =	sst s0  }
0x9: {  	[smem:$0x3FAA] =	sst s1  }
0xa: {  	[smem:$0x3FAB] =	sst s2  }
0xb: {  	[smem:$0x3FAC] =	sst s3  }
0xc: {  	[smem:$0x3FAD] =	sst s4  }
0xd: {  	[smem:$0x3FAE] =	sst s5  }
0xe: {  	[smem:$0x3FAF] =	sst s6  }
0xf: {  	[smem:$0x3FB0] =	sst s7  }
0x10: {  	[smem:$0x3FB1] =	sst s8  }
0x11: {  	[smem:$0x3FB2] =	sst s9;
	s0 =	simm.s32 @!p0 $0x0  }
0x12: {  	s1 =	sld [smem:$0x3F98];
	s0 =	simm.s32 @p0 $0x1  }
0x13: {  	[smem:$0x3FB3] =	sst s0;
	s0 =	simm.s32 @!p1 $0x0  }
0x14: {  	s2 =	sld [smem:$0x3F97];
	s0 =	simm.s32 @p1 $0x1  }
0x15: {  	[smem:$0x3FB4] =	sst s0;
	s0 =	simm.s32 @!p2 $0x0  }
0x16: {  	s3 =	sld [smem:$0x3FDB];
	s0 =	simm.s32 @p2 $0x1  }
0x17: {  	s4 =	simm.s32 $0x1BF5;
	[smem:$0x3FB6] =	sst s0  }
0x18: {  	s0 =	sld [smem:$0x3F99];
	_ =	swait.ge [sflag:s4], $0x0  }
0x19: {  	s7 =	sld [smem:$0x3F9A]  }
0x1a: {  	s8 =	sadd.s32 $0xFFFFE003, lr  }
0x1b: {  	s9 =	sadd.s32 $0xFFFFFEF7, lr;
	s5 =	simm.s32 $0xFFFFFFFF;
	p2 =	slt.u32 s8, $0xFFFFF086  }
0x1c: {  	p1 =	slt.u32 s9, $0xF7A;
	s5 =	simm.s32 @!p2 $0x0  }
0x1d: {  	s5 =	simm.s32 @p1 $0x1;
	p0 =	seq.s32 s7, s2  }
0x1e: {  	s7 =	smul.u32 @!p0 $0xF7A, s2;
	p2 =	seq.s32 @!p0 s5, $0x0  }
0x1f: {  	s9 =	smul.u32 $0xF7A, s1;
	s8 =	simm.s32 @!p0 $0x1BF5;
	p2 =	por !p2, p0  }
0x20: {  	[sflag:s8] =	ssyncset.s32 @!p0 $0xFFFFF086;
	s6 =	sadd.s32 @!p0 s3, s7;
	s7 =	simm.s32 @!p0 $0x108  }
0x21: {  	s3 =	sadd.s32 s3, s9;
	s6 =	sadd.s32 @!p0 $0x88, s6;
	s7 =	simm.s32 @p2 $0x1082  }
0x22: {  	[simem:s7], [sflag:s8] =	dma.local @!p0 [hbm:s6], $0xF7A  }
0x23: {  	s9 =	sor.u32 $0xD0000000, s2;
	s6 =	simm.s32 $0x108;
	_ =	swait.ge @!p0 [sflag:s8], $0x0  }
0x24: {  	s3 =	sadd.s32 $0x88, s3;
	s6 =	simm.s32 @!p1 $0x1082;
	[sflag:s4] =	ssyncset.s32 $0xFFFFF086  }
0x25: {  	[simem:s6], [sflag:s4] =	dma.local [hbm:s3], $0xF7A  }
0x26: {  	[smem:$0x3F9A] =	sst s1;
	(tag) =	ssettag s2;
	_ =	strace s9  }
0x27: {  	s1 =	sld [smem:$0x3FAA]  }
0x28: {  	s2 =	sld [smem:$0x3FAB]  }
0x29: {  	s4 =	sld [smem:$0x3FAD]  }
0x2a: {  	p0 =	seq.s32 s5, $0x0;
	s5 =	sld [smem:$0x3FAE]  }
0x2b: {  	s6 =	sld [smem:$0x3FAF]  }
0x2c: {  	s7 =	sld [smem:$0x3FB0]  }
0x2d: {  	s3 =	simm.s32 $0x108;
	s8 =	sld [smem:$0x3FB1]  }
0x2e: {  	s3 =	simm.s32 @!p0 $0x1082;
	s9 =	sld [smem:$0x3FB2]  }
0x2f: {  	lr =	sadd.s32 s0, s3;
	s0 =	sld [smem:$0x3FA9]  }
0x30: {  	s3 =	sld [smem:$0x3FAC]  }
0x31: {  	[smem:$0x3FB5] =	sst s10  }
0x32: {  	s10 =	sld [smem:$0x3FB3];
	_ =	sdelay $0x3  }
0x33: {  	p0 =	seq.s32 s10, $0x1;
	s10 =	sld [smem:$0x3FB5];
	_ =	sdelay $0x3  }
0x34: {  	[smem:$0x3FB5] =	sst s10  }
0x35: {  	s10 =	sld [smem:$0x3FB4];
	_ =	sdelay $0x3  }
0x36: {  	p1 =	seq.s32 s10, $0x1;
	s10 =	sld [smem:$0x3FB5];
	_ =	sdelay $0x3  }
0x37: {  	[smem:$0x3FB5] =	sst s10  }
0x38: {  	s10 =	sld [smem:$0x3FB6]  }
0x39: {  	_ = 	snop;
	(pc) =	sbr.ind lr, $3  }
0x3a: {  	_ = 	snop  }
0x3b: {  	_ = 	snop  }
0x3c: {  	p2 =	seq.s32 s10, $0x1;
	s10 =	sld [smem:$0x3FB5]  }
0x3d: {  	_ =	shalt  }
0x3e: {  	_ =	shalt  }
0x3f: {  	_ =	shalt  }
0x40: {  	_ =	shalt  }
0x41: {  	_ =	shalt  }
0x42: {  	_ =	shalt  }
0x43: {  	_ =	shalt  }
0x44: {  	_ =	shalt  }
0x45: {  	_ =	shalt  }
0x46: {  	_ =	shalt  }
0x47: {  	_ =	shalt  }
0x48: {  	_ =	shalt  }
0x49: {  	_ =	shalt  }
0x4a: {  	_ =	shalt  }
0x4b: {  	_ =	shalt  }
0x4c: {  	_ =	shalt  }
0x4d: {  	_ =	shalt  }
0x4e: {  	_ =	shalt  }
0x4f: {  	_ =	shalt  }
0x50: {  	_ =	shalt  }
0x51: {  	_ =	shalt  }
0x52: {  	_ =	shalt  }
0x53: {  	_ =	shalt  }
0x54: {  	_ =	shalt  }
0x55: {  	_ =	shalt  }
0x56: {  	_ =	shalt  }
0x57: {  	_ =	shalt  }
0x58: {  	_ =	shalt  }
0x59: {  	_ =	shalt  }
0x5a: {  	_ =	shalt  }
0x5b: {  	_ =	shalt  }
0x5c: {  	_ =	shalt  }
0x5d: {  	_ =	shalt  }
0x5e: {  	_ =	shalt  }
0x5f: {  	_ =	shalt  }
0x60: {  	_ =	shalt  }
0x61: {  	_ =	shalt  }
0x62: {  	_ =	shalt  }
0x63: {  	_ =	shalt  }
0x64: {  	_ =	shalt  }
0x65: {  	_ =	shalt  }
0x66: {  	_ =	shalt  }
0x67: {  	_ =	shalt  }
0x68: {  	_ =	shalt  }
0x69: {  	_ =	shalt  }
0x6a: {  	_ =	shalt  }
0x6b: {  	_ =	shalt  }
0x6c: {  	_ =	shalt  }
0x6d: {  	_ =	shalt  }
0x6e: {  	_ =	shalt  }
0x6f: {  	_ =	shalt  }
0x70: {  	_ =	shalt  }
0x71: {  	_ =	shalt  }
0x72: {  	_ =	shalt  }
0x73: {  	_ =	shalt  }
0x74: {  	_ =	shalt  }
0x75: {  	_ =	shalt  }
0x76: {  	_ =	shalt  }
0x77: {  	_ =	shalt  }
0x78: {  	_ =	shalt  }
0x79: {  	_ =	shalt  }
0x7a: {  	_ =	shalt  }
0x7b: {  	_ =	shalt  }
0x7c: {  	_ =	shalt  }
0x7d: {  	_ =	shalt  }
0x7e: {  	_ =	shalt  }
0x7f: {  	_ =	shalt  }
0x80: {  	_ =	shalt  }
0x81: {  	_ =	shalt  }
0x82: {  	_ =	shalt  }
0x83: {  	_ =	shalt  }
0x84: {  	_ =	shalt  }
0x85: {  	_ =	shalt  }
0x86: {  	_ =	shalt  }
0x87: {  	_ =	shalt  }
.Lfunc_end0:
.L_simem_size_0:
called_computation_lowered:
.L_overlay_start_0:
0x88: {  	s2 =	sld [smem:$0x3FD9]  }
0x89: {  	s3 =	sld [smem:$0x3FFE];
	_ =	sdelay $0x1  }
0x8a: {  	s1 =	srdreg.scid  }
0x8b: {  	s0 =	sand.u32 $0x1, s1  }
0x8c: {  	s17 =	sshll.u32 s0, $0xA;
	s2 =	sadd.s32 s3, s2  }
0x8d: {  	s2 =	sadd.s32 s2, s17  }
0x8e: {  	[smem:$0x3FC1] =	sst s2  }
0x8f: {  	_ = 	snop  }
0x90: {  	s2 =	sld [smem:$0x3FC9]  }
0x91: {  	s18 =	sld [smem:$0x3FC8]  }
0x92: {  	s4 =	sld [smem:$0x3FD0];
	(tm) =	ssettm $0x1  }
0x93: {  	s5 =	sld [smem:$0x3FFB];
	_ =	sdelay $0x3  }
0x94: {  	_ =	strace s5  }
0x95: {  	s5 =	sld [smem:$0x3FFC];
	_ =	sdelay $0x3  }
0x96: {  	_ =	strace s5  }
0x97: {  	s5 =	sld [smem:$0x3FFD];
	_ =	sdelay $0x3  }
0x98: {  	_ =	strace s5  }
0x99: {  	_ =	strace $0x8FFFFFFF  }
0x9a: {  	s19 =	sld [smem:$0x3FDB];
	_ =	sdelay $0x1  }
0x9b: {  	s6 =	simm.s32 $_scs_section_size  }
0x9c: {  	s7 =	simm.s32 $_size__tile_overlayer_lowered;
	s8 =	simm.s32 $_tile_overlayer_lowered  }
0x9d: {  	s22 =	simm.s32 $0x1BFF;
	s21 =	sshll.u32 s8, $0x1;
	s5 =	sadd.s32 s6, s19  }
0x9e: {  	s9 =	simm.s32 $0x0;
	s20 =	sshll.u32 s7, $0x1;
	s7 =	sadd.s32 s21, s5  }
0x9f: {  	[timem:s9], [sflag:s22] =	dma.local [hbm:s7], s20  }
0xa0: {  	_ =	swait.ge [sflag:s22], s20  }
0xa1: {  	s6 =	ssub.s32 $0x0, s20;
	[sflag:s22] =	ssyncset.done $0x0  }
0xa2: {  	[sflag:s22] =	ssyncadd.s32 s6;
	_ =	sdelay $0x1  }
0xa3: {  	s23 =	simm.s32 $0x1B8B  }
0xa4: {  	_ =	swait.ge [sflag:s23], $0x1  }
0xa5: {  	[sflag:s23] =	ssyncset.done $0x0  }
0xa6: {  	s25 =	simm.s32 $0x1B8E;
	s24 =	sld [smem:$0x3FFE];
	[sflag:s23] =	ssyncadd.s32 $0xFFFFFFFF  }
0xa7: {  	s26 =	simm.s32 $execute0_lowered;
	[smem:$0x3FD2] =	sst s25  }
0xa8: {  	s7 =	sshll.u32 s26, $0x1;
	_ =	strace $0x80000046;
	[dreg:$0x1] =	wrdreg $0xFFFFFFFF  }
0xa9: {  	s28 =	simm.s32 $_size_execute0_lowered;
	s5 =	sadd.s32 s5, s7;
	[dreg:$0x0] =	wrdreg $0x0  }
0xaa: {  	s7 =	sshll.u32 s28, $0x1;
	[dreg:$0x2] =	wrdreg s5  }
0xab: {  	[dreg:$0x3] =	wrdreg s7  }
0xac: {  	[dreg:$0x4] =	wrdreg $0xC0  }
0xad: {  	_ =	task [dreg:s9], $0x5FFFF  }
0xae: {  	[dreg:$0x1] =	wrdreg $0xFFFFFFFF  }
0xaf: {  	[dreg:$0x0] =	wrdreg $0x60  }
0xb0: {  	[dreg:$0x2] =	wrdreg s2  }
0xb1: {  	[dreg:$0x3] =	wrdreg s18  }
0xb2: {  	[dreg:$0x4] =	wrdreg s24  }
0xb3: {  	[dreg:$0x5] =	wrdreg s4  }
0xb4: {  	[dreg:$0x6] =	wrdreg $0x9  }
0xb5: {  	_ =	task.clear_ibuf [dreg:s9], $0x7FFFF;
	_ =	strace $0x90000046  }
0xb6: {  	s29 =	simm.s32 $0x9;
	_ =	strace $0x80000048  }
0xb7: {  	_ =	swait.ge [sflag:s29], $0x1  }
0xb8: {  	[sflag:s29] =	ssyncadd.s32 $0xFFFFFFFF  }
0xb9: {  	_ =	strace $0x90000048  }
0xba: {  	_ =	sfence  }
0xbb: {  	s30 =	sld [smem:$0x0];
	_ =	sdelay $0x2  }
0xbc: {  	s31 =	sshll.u32 s1, $0xD;
	s1 =	sshrl.u32 s1, $0x2  }
0xbd: {  	s3 =	sand.u32 $0x4000, s31;
	s1 =	sadd.s32 s1, s30  }
0xbe: {  	s0 =	sor.u32 s3, s0;
	s1 =	sshll.u32 s1, $0x11  }
0xbf: {  	s0 =	sor.u32 s1, s0  }
0xc0: {  	s0 =	sadd.s32 $0x8F2B, s0  }
0xc1: {  	[sflag:s0] =	ssyncadd.remote.s32 $0x1  }
0xc2: {  	_ =	sfence.sel $0xFFFF  }
0xc3: {  	[dreg:$0x0] =	wrdreg $0xFFFFFFFF;
	(pc) =	sbr.abs _section_cstart, $3  }
0xc4: {  	[dreg:$0x1] =	wrdreg $0xFFFFFFFF  }
0xc5: {  	_ =	task.clear_ibuf [dreg:s9], $0x2FFFF;
	_ =	strace $0x9FFFFFFF  }
0xc6: {  	(tm) =	ssettm $0x7FFFFFFF  }
0xc7: {  	_ =	shalt  }
tec
execute0_lowered:
.L_overlay_start_1:
0x0: {  	(tag) =	ssettag $0x1  }
0x1: {  	s0 =	rddreg [dreg:$0x0]  }
0x2: {  	s3 =	rddreg [dreg:$0x1]  }
0x3: {  	s1 =	rddreg [dreg:$0x2]  }
0x4: {  	s7 =	rddreg [dreg:$0x3];
	s2 =	simm.s32 $0x0;
	s6 =	srdreg.scid  }
0x5: {  	s11 =	stileid.u32;
	s18 =	simm.s32 $0x2;
	s19 =	simm.s32 $0x200  }
0x6: {  	s20 =	simm.s32 $0x80;
	s21 =	simm.s32 $0x280;
	s22 =	simm.s32 $0x100  }
0x7: {  	s23 =	simm.s32 $0x300;
	s24 =	simm.s32 $0x180;
	s25 =	simm.s32 $0x380  }
0x8: {  	s28 =	simm.s32 $0x400;
	s29 =	simm.s32 $0x4400;
	[smem:$0x7FF] =	sst s2  }
0x9: {  	s26 =	simm.s32 $0x0;
	s4 =	sadd.s32 $0x1312E00, s1;
	s5 =	sadd.s32 $0xF42400, s1  }
0xa: {  	s8 =	sand.u32 $0x1, s6;
	s6 =	sadd.s32 $0x1EA00, s1;
	s11 =	sshll.u32 s11, $0x7  }
0xb: {  	s12 =	sadd.s32 $0x3D400, s1;
	s9 =	ssub.s32 $0x2, s8;
	s8 =	sshll.u32 s8, $0x6  }
0xc: {  	_ =	strace $0x80000047;
	s10 =	sshrl.u32 s9, $0x1;
	s8 =	sor.u32 s8, s11  }
0xd: {  	[dreg:$0x5] =	wrdreg s12;
	s17 =	ssub.s32 s9, s10;
	s31 =	sadd.s32 s0, s8  }
0xe: {  	s9 =	sadd.s32 s3, s8;
	s11 =	sor.u32 $0x10, s8;
	s13 =	sor.u32 $0x20, s8  }
0xf: {  	s15 =	sor.u32 $0x30, s8;
	s16 =	sadd.s32 s7, s8;
	[dreg:$0x6] =	wrdreg s31  }
0x10: {  	s10 =	sadd.s32 s0, s11;
	s11 =	sadd.s32 s3, s11;
	s12 =	sadd.s32 s0, s13  }
0x11: {  	v0 =	vlaneseq.u32;
	s13 =	sadd.s32 s3, s13;
	s14 =	sadd.s32 s0, s15;
	s15 =	sadd.s32 s3, s15  }
0x12: {  	v0 =	vmul.u32 $0x20, v0;
	s17 =	smax.u32 s17, $0x1;
	s0 =	simm.s32 $0x1;
	s3 =	simm.s32 $0x8880  }
.LBB2_1:
0x13: {  	s7 =	rddreg [dreg:$0x6]  }
0x14: {  	[tilespmem:s2], [sflag:$0x2] =	stream.linear.gather [hbm4b:s7+s2], $0x80, $0x38;
	[tilespmem:$0x8A80] =	vst v63  }
0x15: {  	_ =	swait.ge [sflag:s18], $0x80  }
0x16: {  	[sflag:s18] =	ssyncset.done $0x0  }
0x17: {  	[sflag:s18] =	ssyncadd.s32 $0xFFFFFF80  }
0x18: {  	[tilespmem:s19], [sflag:$0x2] =	stream.linear.gather [hbm4b:s9+s2], $0x80, $0x38;
	[tilespmem:$0x8A80] =	vst v63  }
0x19: {  	_ =	swait.ge [sflag:s18], $0x80  }
0x1a: {  	[sflag:s18] =	ssyncset.done $0x0  }
0x1b: {  	[sflag:s18] =	ssyncadd.s32 $0xFFFFFF80  }
0x1c: {  	[tilespmem:s20], [sflag:$0x2] =	stream.linear.gather [hbm4b:s10+s2], $0x80, $0x38;
	[tilespmem:$0x8A80] =	vst v63  }
0x1d: {  	_ =	swait.ge [sflag:s18], $0x80  }
0x1e: {  	[sflag:s18] =	ssyncset.done $0x0  }
0x1f: {  	[sflag:s18] =	ssyncadd.s32 $0xFFFFFF80  }
0x20: {  	[tilespmem:s21], [sflag:$0x2] =	stream.linear.gather [hbm4b:s11+s2], $0x80, $0x38;
	[tilespmem:$0x8A80] =	vst v63  }
0x21: {  	_ =	swait.ge [sflag:s18], $0x80  }
0x22: {  	[sflag:s18] =	ssyncset.done $0x0  }
0x23: {  	[sflag:s18] =	ssyncadd.s32 $0xFFFFFF80  }
0x24: {  	[tilespmem:s22], [sflag:$0x2] =	stream.linear.gather [hbm4b:s12+s2], $0x80, $0x38;
	[tilespmem:$0x8A80] =	vst v63  }
0x25: {  	_ =	swait.ge [sflag:s18], $0x80  }
0x26: {  	[sflag:s18] =	ssyncset.done $0x0  }
0x27: {  	[sflag:s18] =	ssyncadd.s32 $0xFFFFFF80  }
0x28: {  	[tilespmem:s23], [sflag:$0x2] =	stream.linear.gather [hbm4b:s13+s2], $0x80, $0x38;
	[tilespmem:$0x8A80] =	vst v63  }
0x29: {  	_ =	swait.ge [sflag:s18], $0x80  }
0x2a: {  	[sflag:s18] =	ssyncset.done $0x0  }
0x2b: {  	[sflag:s18] =	ssyncadd.s32 $0xFFFFFF80  }
0x2c: {  	[tilespmem:s24], [sflag:$0x2] =	stream.linear.gather [hbm4b:s14+s2], $0x80, $0x38;
	[tilespmem:$0x8A80] =	vst v63  }
0x2d: {  	_ =	swait.ge [sflag:s18], $0x80  }
0x2e: {  	[sflag:s18] =	ssyncset.done $0x0  }
0x2f: {  	[sflag:s18] =	ssyncadd.s32 $0xFFFFFF80  }
0x30: {  	[tilespmem:s25], [sflag:$0x2] =	stream.linear.gather [hbm4b:s15+s2], $0x80, $0x38;
	[tilespmem:$0x8A80] =	vst v63  }
0x31: {  	_ =	swait.ge [sflag:s18], $0x80  }
0x32: {  	[sflag:s18] =	ssyncset.done $0x0  }
0x33: {  	s8 =	simm.s32 $0x8800;
	s7 =	rddreg [dreg:$0x5];
	[sflag:s18] =	ssyncadd.s32 $0xFFFFFF80  }
0x34: {  	[tilespmem:s8], [sflag:$0x2] =	stream.linear.gather [hbm4b:s7+s2], $0x80, $0x38;
	[tilespmem:$0x8A80] =	vst v63  }
0x35: {  	_ =	swait.ge [sflag:s18], $0x80  }
0x36: {  	[sflag:s18] =	ssyncset.done $0x0  }
0x37: {  	[sflag:s18] =	ssyncadd.s32 $0xFFFFFF80  }
0x38: {  	[tilespmem:s28], [sflag:$0x1] =	stream.indirect.gather [hbm4b:s4+s20], $0x20, s2, s20, $0xb8;
	[tilespmem:$0x8A80] =	vst v63  }
0x39: {  	_ = 	snop  }
0x3a: {  	[tilespmem:s29], [sflag:$0x1] =	stream.indirect.gather [hbm4b:s5+s20], $0x20, s19, s20, $0xb8;
	[tilespmem:$0x8A80] =	vst v63  }
0x3b: {  	s7 =	simm.s32 $0x8400  }
0x3c: {  	[tilespmem:s7], [sflag:$0x1] =	stream.indirect.gather [hbm4b:s6+s20], $0x1, s2, s20, $0xb8;
	[tilespmem:$0x8A80] =	vst v63  }
0x3d: {  	s8 =	simm.s32 $0x8600  }
0x3e: {  	[tilespmem:s8], [sflag:$0x1] =	stream.indirect.gather [hbm4b:s1+s20], $0x1, s19, s20, $0xb8;
	[tilespmem:$0x8A80] =	vst v63  }
0x3f: {  	s30 =	simm.s32 $0x1400  }
0x40: {  	[tilespmem:s30], [sflag:$0x1] =	stream.indirect.gather [hbm4b:s4+s20], $0x20, s20, s20, $0xb8;
	[tilespmem:$0x8A80] =	vst v63  }
0x41: {  	s30 =	simm.s32 $0x5400  }
0x42: {  	[tilespmem:s30], [sflag:$0x1] =	stream.indirect.gather [hbm4b:s5+s20], $0x20, s21, s20, $0xb8;
	[tilespmem:$0x8A80] =	vst v63  }
0x43: {  	s30 =	simm.s32 $0x8480  }
0x44: {  	[tilespmem:s30], [sflag:$0x1] =	stream.indirect.gather [hbm4b:s6+s20], $0x1, s20, s20, $0xb8;
	[tilespmem:$0x8A80] =	vst v63  }
0x45: {  	s30 =	simm.s32 $0x8680  }
0x46: {  	[tilespmem:s30], [sflag:$0x1] =	stream.indirect.gather [hbm4b:s1+s20], $0x1, s21, s20, $0xb8;
	[tilespmem:$0x8A80] =	vst v63  }
0x47: {  	s30 =	simm.s32 $0x2400  }
0x48: {  	[tilespmem:s30], [sflag:$0x1] =	stream.indirect.gather [hbm4b:s4+s20], $0x20, s22, s20, $0xb8;
	[tilespmem:$0x8A80] =	vst v63  }
0x49: {  	s30 =	simm.s32 $0x6400  }
0x4a: {  	[tilespmem:s30], [sflag:$0x1] =	stream.indirect.gather [hbm4b:s5+s20], $0x20, s23, s20, $0xb8;
	[tilespmem:$0x8A80] =	vst v63  }
0x4b: {  	s30 =	simm.s32 $0x8500  }
0x4c: {  	[tilespmem:s30], [sflag:$0x1] =	stream.indirect.gather [hbm4b:s6+s20], $0x1, s22, s20, $0xb8;
	[tilespmem:$0x8A80] =	vst v63  }
0x4d: {  	s30 =	simm.s32 $0x8700  }
0x4e: {  	[tilespmem:s30], [sflag:$0x1] =	stream.indirect.gather [hbm4b:s1+s20], $0x1, s23, s20, $0xb8;
	[tilespmem:$0x8A80] =	vst v63  }
0x4f: {  	s30 =	simm.s32 $0x3400  }
0x50: {  	[tilespmem:s30], [sflag:$0x1] =	stream.indirect.gather [hbm4b:s4+s20], $0x20, s24, s20, $0xb8;
	[tilespmem:$0x8A80] =	vst v63  }
0x51: {  	s30 =	simm.s32 $0x7400  }
0x52: {  	[tilespmem:s30], [sflag:$0x1] =	stream.indirect.gather [hbm4b:s5+s20], $0x20, s25, s20, $0xb8;
	[tilespmem:$0x8A80] =	vst v63  }
0x53: {  	s30 =	simm.s32 $0x8580  }
0x54: {  	[tilespmem:s30], [sflag:$0x1] =	stream.indirect.gather [hbm4b:s6+s20], $0x1, s24, s20, $0xb8;
	[tilespmem:$0x8A80] =	vst v63  }
0x55: {  	s30 =	simm.s32 $0x8780  }
0x56: {  	[tilespmem:s30], [sflag:$0x1] =	stream.indirect.gather [hbm4b:s1+s20], $0x1, s25, s20, $0xb8;
	[tilespmem:$0x8A80] =	vst v63  }
0x57: {  	_ =	swait.ge [sflag:s0], $0x200  }
0x58: {  	[sflag:s0] =	ssyncset.done $0x0  }
0x59: {  	[sflag:s0] =	ssyncadd.s32 $0xFFFFFE00  }
0x5a: {  	_ =	swait.ge [sflag:s0], $0x200  }
0x5b: {  	[sflag:s0] =	ssyncset.done $0x0  }
0x5c: {  	[sflag:s0] =	ssyncadd.s32 $0xFFFFFE00  }
0x5d: {  	_ =	swait.ge [sflag:s0], $0x1000  }
0x5e: {  	[sflag:s0] =	ssyncset.done $0x0  }
0x5f: {  	[sflag:s0] =	ssyncadd.s32 $0xFFFFF000  }
0x60: {  	_ =	swait.ge [sflag:s0], $0x1000  }
0x61: {  	[sflag:s0] =	ssyncset.done $0x0  }
0x62: {  	[sflag:s0] =	ssyncadd.s32 $0xFFFFF000  }
0x63: {  	_ =	swait.ge [sflag:s0], $0x1000  }
0x64: {  	[sflag:s0] =	ssyncset.done $0x0  }
0x65: {  	[sflag:s0] =	ssyncadd.s32 $0xFFFFF000  }
0x66: {  	_ =	swait.ge [sflag:s0], $0x1000  }
0x67: {  	[sflag:s0] =	ssyncset.done $0x0  }
0x68: {  	[sflag:s0] =	ssyncadd.s32 $0xFFFFF000  }
0x69: {  	_ =	swait.ge [sflag:s0], $0x1000  }
0x6a: {  	[sflag:s0] =	ssyncset.done $0x0  }
0x6b: {  	[sflag:s0] =	ssyncadd.s32 $0xFFFFF000  }
0x6c: {  	_ =	swait.ge [sflag:s0], $0x1000  }
0x6d: {  	[sflag:s0] =	ssyncset.done $0x0  }
0x6e: {  	[sflag:s0] =	ssyncadd.s32 $0xFFFFF000  }
0x6f: {  	v1 =	vmov s2;
	_ =	swait.ge [sflag:s0], $0x1000  }
0x70: {  	v1 =	vshll.u32 v1, $0x5;
	[sflag:s0] =	ssyncset.done $0x0  }
0x71: {  	v2 =	vor.u32 v0, v1;
	[sflag:s0] =	ssyncadd.s32 $0xFFFFF000  }
0x72: {  	_ =	swait.ge [sflag:s0], $0x1000  }
0x73: {  	[sflag:s0] =	ssyncset.done $0x0  }
0x74: {  	[sflag:s0] =	ssyncadd.s32 $0xFFFFF000  }
0x75: {  	v3 =	vor.u32 $0x1, v2;
	v1 =	vld [tilespmem:$0x8800]  }
0x76: {  	v4 =	vld.idx.msk [tilespmem:v2+s28+$0x0], $0xffff  }
0x77: {  	v5 =	vor.u32 $0x2, v2;
	v6 =	vld [tilespmem:s7+$0x0]  }
0x78: {  	v7 =	vld.idx.msk [tilespmem:v2+s29+$0x0], $0xffff  }
0x79: {  	v8 =	vor.u32 $0x3, v2;
	v9 =	vld [tilespmem:s8+$0x0]  }
0x7a: {  	v10 =	vld.idx.msk [tilespmem:v3+s28+$0x0], $0xffff  }
0x7b: {  	v11 =	vor.u32 $0x4, v2;
	v3 =	vld.idx.msk [tilespmem:v3+s29+$0x0], $0xffff  }
0x7c: {  	v12 =	vld.idx.msk [tilespmem:v5+s28+$0x0], $0xffff;
	v6 =	vadd.f32 v6, v1  }
0x7d: {  	v13 =	vor.u32 $0x5, v2;
	v5 =	vld.idx.msk [tilespmem:v5+s29+$0x0], $0xffff  }
0x7e: {  	v14 =	vld.idx.msk [tilespmem:v8+s28+$0x0], $0xffff;
	v4 =	vmul.f32 v7, v4;
	v6 =	vadd.f32 v9, v6  }
0x7f: {  	v47 =	vor.u32 $0x6, v2;
	v7 =	vld.idx.msk [tilespmem:v8+s29+$0x0], $0xffff  }
0x80: {  	v48 =	vld.idx.msk [tilespmem:v11+s28+$0x0], $0xffff;
	v3 =	vmul.f32 v3, v10;
	v4 =	vadd.f32 v4, v6  }
0x81: {  	v49 =	vor.u32 $0x7, v2;
	v6 =	vld.idx.msk [tilespmem:v11+s29+$0x0], $0xffff  }
0x82: {  	v50 =	vld.idx.msk [tilespmem:v13+s28+$0x0], $0xffff;
	v3 =	vadd.f32 v3, v4;
	v4 =	vmul.f32 v5, v12  }
0x83: {  	v51 =	vor.u32 $0x8, v2;
	v5 =	vld.idx.msk [tilespmem:v13+s29+$0x0], $0xffff  }
0x84: {  	v52 =	vld.idx.msk [tilespmem:v47+s28+$0x0], $0xffff;
	v3 =	vadd.f32 v4, v3;
	v4 =	vmul.f32 v7, v14  }
0x85: {  	v53 =	vor.u32 $0x9, v2;
	v7 =	vld.idx.msk [tilespmem:v47+s29+$0x0], $0xffff  }
0x86: {  	v54 =	vld.idx.msk [tilespmem:v49+s28+$0x0], $0xffff;
	v3 =	vadd.f32 v4, v3;
	v4 =	vmul.f32 v6, v48  }
0x87: {  	v55 =	vor.u32 $0xA, v2;
	v6 =	vld.idx.msk [tilespmem:v49+s29+$0x0], $0xffff  }
0x88: {  	v56 =	vld.idx.msk [tilespmem:v51+s28+$0x0], $0xffff;
	v3 =	vadd.f32 v4, v3;
	v4 =	vmul.f32 v5, v50  }
0x89: {  	v57 =	vor.u32 $0xB, v2;
	v5 =	vld.idx.msk [tilespmem:v51+s29+$0x0], $0xffff  }
0x8a: {  	v58 =	vld.idx.msk [tilespmem:v53+s28+$0x0], $0xffff;
	v3 =	vadd.f32 v4, v3;
	v4 =	vmul.f32 v7, v52  }
0x8b: {  	v59 =	vor.u32 $0xC, v2;
	v7 =	vld.idx.msk [tilespmem:v53+s29+$0x0], $0xffff  }
0x8c: {  	v60 =	vld.idx.msk [tilespmem:v55+s28+$0x0], $0xffff;
	v3 =	vadd.f32 v4, v3;
	v4 =	vmul.f32 v6, v54  }
0x8d: {  	v61 =	vor.u32 $0xD, v2;
	v6 =	vld.idx.msk [tilespmem:v55+s29+$0x0], $0xffff  }
0x8e: {  	v62 =	vld.idx.msk [tilespmem:v57+s28+$0x0], $0xffff;
	v3 =	vadd.f32 v4, v3;
	v4 =	vmul.f32 v5, v56  }
0x8f: {  	v63 =	vor.u32 $0xE, v2;
	v5 =	vld.idx.msk [tilespmem:v57+s29+$0x0], $0xffff  }
0x90: {  	v16 =	vld.idx.msk [tilespmem:v59+s28+$0x0], $0xffff;
	v3 =	vadd.f32 v4, v3;
	v4 =	vmul.f32 v7, v58  }
0x91: {  	v17 =	vor.u32 $0xF, v2;
	v7 =	vld.idx.msk [tilespmem:v59+s29+$0x0], $0xffff  }
0x92: {  	v18 =	vld.idx.msk [tilespmem:v61+s28+$0x0], $0xffff;
	v3 =	vadd.f32 v4, v3;
	v4 =	vmul.f32 v6, v60  }
0x93: {  	v19 =	vor.u32 $0x10, v2;
	v6 =	vld.idx.msk [tilespmem:v61+s29+$0x0], $0xffff  }
0x94: {  	v20 =	vld.idx.msk [tilespmem:v63+s28+$0x0], $0xffff;
	v3 =	vadd.f32 v4, v3;
	v4 =	vmul.f32 v5, v62  }
0x95: {  	v21 =	vor.u32 $0x11, v2;
	v5 =	vld.idx.msk [tilespmem:v63+s29+$0x0], $0xffff  }
0x96: {  	v22 =	vld.idx.msk [tilespmem:v17+s28+$0x0], $0xffff;
	v3 =	vadd.f32 v4, v3;
	v4 =	vmul.f32 v7, v16  }
0x97: {  	v23 =	vor.u32 $0x12, v2;
	v7 =	vld.idx.msk [tilespmem:v17+s29+$0x0], $0xffff  }
0x98: {  	v24 =	vld.idx.msk [tilespmem:v19+s28+$0x0], $0xffff;
	v3 =	vadd.f32 v4, v3;
	v4 =	vmul.f32 v6, v18  }
0x99: {  	v25 =	vor.u32 $0x13, v2;
	v6 =	vld.idx.msk [tilespmem:v19+s29+$0x0], $0xffff  }
0x9a: {  	v26 =	vld.idx.msk [tilespmem:v21+s28+$0x0], $0xffff;
	v3 =	vadd.f32 v4, v3;
	v4 =	vmul.f32 v5, v20  }
0x9b: {  	v27 =	vor.u32 $0x14, v2;
	v5 =	vld.idx.msk [tilespmem:v21+s29+$0x0], $0xffff  }
0x9c: {  	v28 =	vld.idx.msk [tilespmem:v23+s28+$0x0], $0xffff;
	v3 =	vadd.f32 v4, v3;
	v4 =	vmul.f32 v7, v22  }
0x9d: {  	v29 =	vor.u32 $0x15, v2;
	v7 =	vld.idx.msk [tilespmem:v23+s29+$0x0], $0xffff  }
0x9e: {  	v30 =	vld.idx.msk [tilespmem:v25+s28+$0x0], $0xffff;
	v3 =	vadd.f32 v4, v3;
	v4 =	vmul.f32 v6, v24  }
0x9f: {  	v31 =	vor.u32 $0x16, v2;
	v6 =	vld.idx.msk [tilespmem:v25+s29+$0x0], $0xffff  }
0xa0: {  	v32 =	vld.idx.msk [tilespmem:v27+s28+$0x0], $0xffff;
	v3 =	vadd.f32 v4, v3;
	v4 =	vmul.f32 v5, v26  }
0xa1: {  	v33 =	vor.u32 $0x17, v2;
	v5 =	vld.idx.msk [tilespmem:v27+s29+$0x0], $0xffff  }
0xa2: {  	v34 =	vld.idx.msk [tilespmem:v29+s28+$0x0], $0xffff;
	v3 =	vadd.f32 v4, v3;
	v4 =	vmul.f32 v7, v28  }
0xa3: {  	v35 =	vor.u32 $0x18, v2;
	v7 =	vld.idx.msk [tilespmem:v29+s29+$0x0], $0xffff  }
0xa4: {  	v36 =	vld.idx.msk [tilespmem:v31+s28+$0x0], $0xffff;
	v3 =	vadd.f32 v4, v3;
	v4 =	vmul.f32 v6, v30  }
0xa5: {  	v37 =	vor.u32 $0x19, v2;
	v6 =	vld.idx.msk [tilespmem:v31+s29+$0x0], $0xffff  }
0xa6: {  	v38 =	vld.idx.msk [tilespmem:v33+s28+$0x0], $0xffff;
	v3 =	vadd.f32 v4, v3;
	v4 =	vmul.f32 v5, v32  }
0xa7: {  	v39 =	vor.u32 $0x1A, v2;
	v5 =	vld.idx.msk [tilespmem:v33+s29+$0x0], $0xffff  }
0xa8: {  	v40 =	vld.idx.msk [tilespmem:v35+s28+$0x0], $0xffff;
	v3 =	vadd.f32 v4, v3;
	v4 =	vmul.f32 v7, v34  }
0xa9: {  	v41 =	vor.u32 $0x1B, v2;
	v7 =	vld.idx.msk [tilespmem:v35+s29+$0x0], $0xffff  }
0xaa: {  	v42 =	vld.idx.msk [tilespmem:v37+s28+$0x0], $0xffff;
	v3 =	vadd.f32 v4, v3;
	v4 =	vmul.f32 v6, v36  }
0xab: {  	v43 =	vor.u32 $0x1C, v2;
	v6 =	vld.idx.msk [tilespmem:v37+s29+$0x0], $0xffff  }
0xac: {  	v44 =	vld.idx.msk [tilespmem:v39+s28+$0x0], $0xffff;
	v3 =	vadd.f32 v4, v3;
	v4 =	vmul.f32 v5, v38  }
0xad: {  	v45 =	vor.u32 $0x1D, v2;
	v5 =	vld.idx.msk [tilespmem:v39+s29+$0x0], $0xffff  }
0xae: {  	v46 =	vld.idx.msk [tilespmem:v41+s28+$0x0], $0xffff;
	v3 =	vadd.f32 v4, v3;
	v4 =	vmul.f32 v7, v40  }
0xaf: {  	v47 =	vor.u32 $0x1E, v2;
	v7 =	vld.idx.msk [tilespmem:v41+s29+$0x0], $0xffff  }
0xb0: {  	v48 =	vld.idx.msk [tilespmem:v43+s28+$0x0], $0xffff;
	v3 =	vadd.f32 v4, v3;
	v4 =	vmul.f32 v6, v42  }
0xb1: {  	v2 =	vor.u32 $0x1F, v2;
	v6 =	vld.idx.msk [tilespmem:v43+s29+$0x0], $0xffff  }
0xb2: {  	v49 =	vld.idx.msk [tilespmem:v45+s28+$0x0], $0xffff;
	v3 =	vadd.f32 v4, v3;
	v4 =	vmul.f32 v5, v44  }
0xb3: {  	v5 =	vld.idx.msk [tilespmem:v45+s29+$0x0], $0xffff  }
0xb4: {  	v50 =	vld.idx.msk [tilespmem:v47+s28+$0x0], $0xffff;
	v3 =	vadd.f32 v4, v3;
	v4 =	vmul.f32 v7, v46  }
0xb5: {  	v7 =	vld.idx.msk [tilespmem:v47+s29+$0x0], $0xffff  }
0xb6: {  	v51 =	vld.idx.msk [tilespmem:v2+s28+$0x0], $0xffff;
	v3 =	vadd.f32 v4, v3;
	v4 =	vmul.f32 v6, v48  }
0xb7: {  	v6 =	vld.idx.msk [tilespmem:v2+s29+$0x0], $0xffff  }
0xb8: {  	v2 =	vadd.f32 v4, v3;
	v3 =	vmul.f32 v5, v49  }
0xb9: {  	s8 =	simm.s32 $0x10  }
0xba: {  	v4 =	vmov s8;
	v5 =	vmul.f32 v7, v50;
	v3 =	vadd.f32 v3, v2  }
0xbb: {  	v2 =	vshll.u32 v4, $0x5  }
0xbc: {  	v2 =	vor.u32 v0, v2;
	v4 =	vmul.f32 v6, v51;
	v3 =	vadd.f32 v5, v3;
	_ =	sdelay $0x1  }
0xbd: {  	v3 =	vadd.f32 v4, v3;
	_ =	sdelay $0x1  }
0xbe: {  	v4 =	vor.u32 $0x1, v2;
	[tilespmem:s3+$0x0] =	vst v3  }
0xbf: {  	s30 =	simm.s32 $0x8410;
	v3 =	vld.idx.msk [tilespmem:v2+s28+$0x0], $0xffff  }
0xc0: {  	v5 =	vor.u32 $0x2, v2;
	v6 =	vld [tilespmem:s30+$0x0]  }
0xc1: {  	s31 =	simm.s32 $0x8610;
	v7 =	vld.idx.msk [tilespmem:v2+s29+$0x0], $0xffff  }
0xc2: {  	v52 =	vor.u32 $0x3, v2;
	v53 =	vld [tilespmem:s31+$0x0]  }
0xc3: {  	v54 =	vld.idx.msk [tilespmem:v4+s28+$0x0], $0xffff  }
0xc4: {  	v55 =	vor.u32 $0x4, v2;
	v4 =	vld.idx.msk [tilespmem:v4+s29+$0x0], $0xffff  }
0xc5: {  	v56 =	vld.idx.msk [tilespmem:v5+s28+$0x0], $0xffff;
	v6 =	vadd.f32 v6, v1  }
0xc6: {  	v57 =	vor.u32 $0x5, v2;
	v5 =	vld.idx.msk [tilespmem:v5+s29+$0x0], $0xffff  }
0xc7: {  	v58 =	vld.idx.msk [tilespmem:v52+s28+$0x0], $0xffff;
	v3 =	vmul.f32 v7, v3;
	v6 =	vadd.f32 v53, v6  }
0xc8: {  	v59 =	vor.u32 $0x6, v2;
	v7 =	vld.idx.msk [tilespmem:v52+s29+$0x0], $0xffff  }
0xc9: {  	v60 =	vld.idx.msk [tilespmem:v55+s28+$0x0], $0xffff;
	v4 =	vmul.f32 v4, v54;
	v3 =	vadd.f32 v3, v6  }
0xca: {  	v61 =	vor.u32 $0x7, v2;
	v6 =	vld.idx.msk [tilespmem:v55+s29+$0x0], $0xffff  }
0xcb: {  	v62 =	vld.idx.msk [tilespmem:v57+s28+$0x0], $0xffff;
	v3 =	vadd.f32 v4, v3;
	v4 =	vmul.f32 v5, v56  }
0xcc: {  	v63 =	vor.u32 $0x8, v2;
	v5 =	vld.idx.msk [tilespmem:v57+s29+$0x0], $0xffff  }
0xcd: {  	v16 =	vld.idx.msk [tilespmem:v59+s28+$0x0], $0xffff;
	v3 =	vadd.f32 v4, v3;
	v4 =	vmul.f32 v7, v58  }
0xce: {  	v17 =	vor.u32 $0x9, v2;
	v7 =	vld.idx.msk [tilespmem:v59+s29+$0x0], $0xffff  }
0xcf: {  	v18 =	vld.idx.msk [tilespmem:v61+s28+$0x0], $0xffff;
	v3 =	vadd.f32 v4, v3;
	v4 =	vmul.f32 v6, v60  }
0xd0: {  	v19 =	vor.u32 $0xA, v2;
	v6 =	vld.idx.msk [tilespmem:v61+s29+$0x0], $0xffff  }
0xd1: {  	v20 =	vld.idx.msk [tilespmem:v63+s28+$0x0], $0xffff;
	v3 =	vadd.f32 v4, v3;
	v4 =	vmul.f32 v5, v62  }
0xd2: {  	v21 =	vor.u32 $0xB, v2;
	v5 =	vld.idx.msk [tilespmem:v63+s29+$0x0], $0xffff  }
0xd3: {  	v22 =	vld.idx.msk [tilespmem:v17+s28+$0x0], $0xffff;
	v3 =	vadd.f32 v4, v3;
	v4 =	vmul.f32 v7, v16  }
0xd4: {  	v23 =	vor.u32 $0xC, v2;
	v7 =	vld.idx.msk [tilespmem:v17+s29+$0x0], $0xffff  }
0xd5: {  	v24 =	vld.idx.msk [tilespmem:v19+s28+$0x0], $0xffff;
	v3 =	vadd.f32 v4, v3;
	v4 =	vmul.f32 v6, v18  }
0xd6: {  	v25 =	vor.u32 $0xD, v2;
	v6 =	vld.idx.msk [tilespmem:v19+s29+$0x0], $0xffff  }
0xd7: {  	v26 =	vld.idx.msk [tilespmem:v21+s28+$0x0], $0xffff;
	v3 =	vadd.f32 v4, v3;
	v4 =	vmul.f32 v5, v20  }
0xd8: {  	v27 =	vor.u32 $0xE, v2;
	v5 =	vld.idx.msk [tilespmem:v21+s29+$0x0], $0xffff  }
0xd9: {  	v28 =	vld.idx.msk [tilespmem:v23+s28+$0x0], $0xffff;
	v3 =	vadd.f32 v4, v3;
	v4 =	vmul.f32 v7, v22  }
0xda: {  	v29 =	vor.u32 $0xF, v2;
	v7 =	vld.idx.msk [tilespmem:v23+s29+$0x0], $0xffff  }
0xdb: {  	v30 =	vld.idx.msk [tilespmem:v25+s28+$0x0], $0xffff;
	v3 =	vadd.f32 v4, v3;
	v4 =	vmul.f32 v6, v24  }
0xdc: {  	v31 =	vor.u32 $0x10, v2;
	v6 =	vld.idx.msk [tilespmem:v25+s29+$0x0], $0xffff  }
0xdd: {  	v32 =	vld.idx.msk [tilespmem:v27+s28+$0x0], $0xffff;
	v3 =	vadd.f32 v4, v3;
	v4 =	vmul.f32 v5, v26  }
0xde: {  	v33 =	vor.u32 $0x11, v2;
	v5 =	vld.idx.msk [tilespmem:v27+s29+$0x0], $0xffff  }
0xdf: {  	v34 =	vld.idx.msk [tilespmem:v29+s28+$0x0], $0xffff;
	v3 =	vadd.f32 v4, v3;
	v4 =	vmul.f32 v7, v28  }
0xe0: {  	v35 =	vor.u32 $0x12, v2;
	v7 =	vld.idx.msk [tilespmem:v29+s29+$0x0], $0xffff  }
0xe1: {  	v36 =	vld.idx.msk [tilespmem:v31+s28+$0x0], $0xffff;
	v3 =	vadd.f32 v4, v3;
	v4 =	vmul.f32 v6, v30  }
0xe2: {  	v37 =	vor.u32 $0x13, v2;
	v6 =	vld.idx.msk [tilespmem:v31+s29+$0x0], $0xffff  }
0xe3: {  	v38 =	vld.idx.msk [tilespmem:v33+s28+$0x0], $0xffff;
	v3 =	vadd.f32 v4, v3;
	v4 =	vmul.f32 v5, v32  }
0xe4: {  	v39 =	vor.u32 $0x14, v2;
	v5 =	vld.idx.msk [tilespmem:v33+s29+$0x0], $0xffff  }
0xe5: {  	v40 =	vld.idx.msk [tilespmem:v35+s28+$0x0], $0xffff;
	v3 =	vadd.f32 v4, v3;
	v4 =	vmul.f32 v7, v34  }
0xe6: {  	v41 =	vor.u32 $0x15, v2;
	v7 =	vld.idx.msk [tilespmem:v35+s29+$0x0], $0xffff  }
0xe7: {  	v42 =	vld.idx.msk [tilespmem:v37+s28+$0x0], $0xffff;
	v3 =	vadd.f32 v4, v3;
	v4 =	vmul.f32 v6, v36  }
0xe8: {  	v43 =	vor.u32 $0x16, v2;
	v6 =	vld.idx.msk [tilespmem:v37+s29+$0x0], $0xffff  }
0xe9: {  	v44 =	vld.idx.msk [tilespmem:v39+s28+$0x0], $0xffff;
	v3 =	vadd.f32 v4, v3;
	v4 =	vmul.f32 v5, v38  }
0xea: {  	v45 =	vor.u32 $0x17, v2;
	v5 =	vld.idx.msk [tilespmem:v39+s29+$0x0], $0xffff  }
0xeb: {  	v46 =	vld.idx.msk [tilespmem:v41+s28+$0x0], $0xffff;
	v3 =	vadd.f32 v4, v3;
	v4 =	vmul.f32 v7, v40  }
0xec: {  	v47 =	vor.u32 $0x18, v2;
	v7 =	vld.idx.msk [tilespmem:v41+s29+$0x0], $0xffff  }
0xed: {  	v48 =	vld.idx.msk [tilespmem:v43+s28+$0x0], $0xffff;
	v3 =	vadd.f32 v4, v3;
	v4 =	vmul.f32 v6, v42  }
0xee: {  	v49 =	vor.u32 $0x19, v2;
	v6 =	vld.idx.msk [tilespmem:v43+s29+$0x0], $0xffff  }
0xef: {  	v50 =	vld.idx.msk [tilespmem:v45+s28+$0x0], $0xffff;
	v3 =	vadd.f32 v4, v3;
	v4 =	vmul.f32 v5, v44  }
0xf0: {  	v51 =	vor.u32 $0x1A, v2;
	v5 =	vld.idx.msk [tilespmem:v45+s29+$0x0], $0xffff  }
0xf1: {  	v52 =	vld.idx.msk [tilespmem:v47+s28+$0x0], $0xffff;
	v3 =	vadd.f32 v4, v3;
	v4 =	vmul.f32 v7, v46  }
0xf2: {  	v53 =	vor.u32 $0x1B, v2;
	v7 =	vld.idx.msk [tilespmem:v47+s29+$0x0], $0xffff  }
0xf3: {  	v54 =	vld.idx.msk [tilespmem:v49+s28+$0x0], $0xffff;
	v3 =	vadd.f32 v4, v3;
	v4 =	vmul.f32 v6, v48  }
0xf4: {  	v55 =	vor.u32 $0x1C, v2;
	v6 =	vld.idx.msk [tilespmem:v49+s29+$0x0], $0xffff  }
0xf5: {  	v56 =	vld.idx.msk [tilespmem:v51+s28+$0x0], $0xffff;
	v3 =	vadd.f32 v4, v3;
	v4 =	vmul.f32 v5, v50  }
0xf6: {  	v57 =	vor.u32 $0x1D, v2;
	v5 =	vld.idx.msk [tilespmem:v51+s29+$0x0], $0xffff  }
0xf7: {  	v58 =	vld.idx.msk [tilespmem:v53+s28+$0x0], $0xffff;
	v3 =	vadd.f32 v4, v3;
	v4 =	vmul.f32 v7, v52  }
0xf8: {  	v59 =	vor.u32 $0x1E, v2;
	v7 =	vld.idx.msk [tilespmem:v53+s29+$0x0], $0xffff  }
0xf9: {  	v60 =	vld.idx.msk [tilespmem:v55+s28+$0x0], $0xffff;
	v3 =	vadd.f32 v4, v3;
	v4 =	vmul.f32 v6, v54  }
0xfa: {  	v2 =	vor.u32 $0x1F, v2;
	v6 =	vld.idx.msk [tilespmem:v55+s29+$0x0], $0xffff  }
0xfb: {  	v61 =	vld.idx.msk [tilespmem:v57+s28+$0x0], $0xffff;
	v3 =	vadd.f32 v4, v3;
	v4 =	vmul.f32 v5, v56  }
0xfc: {  	v5 =	vld.idx.msk [tilespmem:v57+s29+$0x0], $0xffff  }
0xfd: {  	v62 =	vld.idx.msk [tilespmem:v59+s28+$0x0], $0xffff;
	v3 =	vadd.f32 v4, v3;
	v4 =	vmul.f32 v7, v58  }
0xfe: {  	v7 =	vld.idx.msk [tilespmem:v59+s29+$0x0], $0xffff  }
0xff: {  	v63 =	vld.idx.msk [tilespmem:v2+s28+$0x0], $0xffff;
	v3 =	vadd.f32 v4, v3;
	v4 =	vmul.f32 v6, v60  }
0x100: {  	v6 =	vld.idx.msk [tilespmem:v2+s29+$0x0], $0xffff  }
0x101: {  	s8 =	simm.s32 $0x20;
	v2 =	vadd.f32 v4, v3;
	v3 =	vmul.f32 v5, v61  }
0x102: {  	v4 =	vmov s8  }
0x103: {  	v4 =	vshll.u32 v4, $0x5;
	v7 =	vmul.f32 v7, v62;
	v5 =	vadd.f32 v3, v2  }
0x104: {  	v2 =	vor.u32 v0, v4  }
0x105: {  	v3 =	vor.u32 $0x1, v2;
	v4 =	vadd.f32 v7, v5;
	v5 =	vmul.f32 v6, v63  }
0x106: {  	s7 =	simm.s32 $0x8880;
	s8 =	simm.s32 $0x30  }
.LBB2_2:
0x107: {  	p0 =	sne.s32 s8, $0x1F0;
	v4 =	vadd.f32 v5, v4  }
0x108: {  	s7 =	sadd.s32 $0x10, s7  }
0x109: {  	[tilespmem:s7+$0x0] =	vst v4  }
0x10a: {  	v4 =	vld.idx.msk [tilespmem:v3+s28+$0x0], $0xffff  }
0x10b: {  	v6 =	vor.u32 $0x2, v2;
	s30 =	sadd.s32 $0x10, s30;
	v5 =	vld.idx.msk [tilespmem:v2+s28+$0x0], $0xffff  }
0x10c: {  	v7 =	vld [tilespmem:s30+$0x0]  }
0x10d: {  	v9 =	vor.u32 $0x3, v2;
	s31 =	sadd.s32 $0x10, s31;
	v8 =	vld.idx.msk [tilespmem:v2+s29+$0x0], $0xffff  }
0x10e: {  	v10 =	vld [tilespmem:s31+$0x0]  }
0x10f: {  	v11 =	vor.u32 $0x4, v2;
	v3 =	vld.idx.msk [tilespmem:v3+s29+$0x0], $0xffff  }
0x110: {  	v12 =	vld.idx.msk [tilespmem:v6+s28+$0x0], $0xffff  }
0x111: {  	v13 =	vor.u32 $0x5, v2;
	v7 =	vadd.f32 v7, v1;
	v6 =	vld.idx.msk [tilespmem:v6+s29+$0x0], $0xffff  }
0x112: {  	v14 =	vld.idx.msk [tilespmem:v9+s28+$0x0], $0xffff  }
0x113: {  	v5 =	vmul.f32 v8, v5;
	v7 =	vadd.f32 v10, v7;
	v8 =	vld.idx.msk [tilespmem:v9+s29+$0x0], $0xffff;
	v9 =	vor.u32 $0x6, v2  }
0x114: {  	v10 =	vld.idx.msk [tilespmem:v11+s28+$0x0], $0xffff  }
0x115: {  	v3 =	vmul.f32 v3, v4;
	v5 =	vadd.f32 v5, v7;
	v4 =	vld.idx.msk [tilespmem:v11+s29+$0x0], $0xffff;
	v7 =	vor.u32 $0x7, v2  }
0x116: {  	v11 =	vld.idx.msk [tilespmem:v13+s28+$0x0], $0xffff  }
0x117: {  	v3 =	vadd.f32 v3, v5;
	v5 =	vmul.f32 v6, v12;
	v6 =	vld.idx.msk [tilespmem:v13+s29+$0x0], $0xffff;
	v12 =	vor.u32 $0x8, v2  }
0x118: {  	v13 =	vld.idx.msk [tilespmem:v9+s28+$0x0], $0xffff  }
0x119: {  	v3 =	vadd.f32 v5, v3;
	v5 =	vmul.f32 v8, v14;
	v8 =	vld.idx.msk [tilespmem:v9+s29+$0x0], $0xffff;
	v9 =	vor.u32 $0x9, v2  }
0x11a: {  	v14 =	vld.idx.msk [tilespmem:v7+s28+$0x0], $0xffff  }
0x11b: {  	v4 =	vmul.f32 v4, v10;
	v3 =	vadd.f32 v5, v3;
	v5 =	vld.idx.msk [tilespmem:v7+s29+$0x0], $0xffff;
	v7 =	vor.u32 $0xA, v2  }
0x11c: {  	v10 =	vld.idx.msk [tilespmem:v12+s28+$0x0], $0xffff  }
0x11d: {  	v3 =	vadd.f32 v4, v3;
	v4 =	vmul.f32 v6, v11;
	v6 =	vld.idx.msk [tilespmem:v12+s29+$0x0], $0xffff;
	v11 =	vor.u32 $0xB, v2  }
0x11e: {  	v12 =	vld.idx.msk [tilespmem:v9+s28+$0x0], $0xffff  }
0x11f: {  	v3 =	vadd.f32 v4, v3;
	v4 =	vmul.f32 v8, v13;
	v8 =	vld.idx.msk [tilespmem:v9+s29+$0x0], $0xffff;
	v9 =	vor.u32 $0xC, v2  }
0x120: {  	v13 =	vld.idx.msk [tilespmem:v7+s28+$0x0], $0xffff  }
0x121: {  	v3 =	vadd.f32 v4, v3;
	v4 =	vmul.f32 v5, v14;
	v5 =	vld.idx.msk [tilespmem:v7+s29+$0x0], $0xffff;
	v7 =	vor.u32 $0xD, v2  }
0x122: {  	v14 =	vld.idx.msk [tilespmem:v11+s28+$0x0], $0xffff  }
0x123: {  	v3 =	vadd.f32 v4, v3;
	v4 =	vmul.f32 v6, v10;
	v6 =	vld.idx.msk [tilespmem:v11+s29+$0x0], $0xffff;
	v10 =	vor.u32 $0xE, v2  }
0x124: {  	v11 =	vld.idx.msk [tilespmem:v9+s28+$0x0], $0xffff  }
0x125: {  	v3 =	vadd.f32 v4, v3;
	v4 =	vmul.f32 v8, v12;
	v8 =	vld.idx.msk [tilespmem:v9+s29+$0x0], $0xffff;
	v9 =	vor.u32 $0xF, v2  }
0x126: {  	v12 =	vld.idx.msk [tilespmem:v7+s28+$0x0], $0xffff  }
0x127: {  	v3 =	vadd.f32 v4, v3;
	v4 =	vmul.f32 v5, v13;
	v5 =	vld.idx.msk [tilespmem:v7+s29+$0x0], $0xffff;
	v7 =	vor.u32 $0x10, v2  }
0x128: {  	v13 =	vld.idx.msk [tilespmem:v10+s28+$0x0], $0xffff  }
0x129: {  	v3 =	vadd.f32 v4, v3;
	v4 =	vmul.f32 v6, v14;
	v6 =	vld.idx.msk [tilespmem:v10+s29+$0x0], $0xffff;
	v10 =	vor.u32 $0x11, v2  }
0x12a: {  	v14 =	vld.idx.msk [tilespmem:v9+s28+$0x0], $0xffff  }
0x12b: {  	v3 =	vadd.f32 v4, v3;
	v4 =	vmul.f32 v8, v11;
	v8 =	vld.idx.msk [tilespmem:v9+s29+$0x0], $0xffff;
	v9 =	vor.u32 $0x12, v2  }
0x12c: {  	v11 =	vld.idx.msk [tilespmem:v7+s28+$0x0], $0xffff  }
0x12d: {  	v3 =	vadd.f32 v4, v3;
	v4 =	vmul.f32 v5, v12;
	v5 =	vld.idx.msk [tilespmem:v7+s29+$0x0], $0xffff;
	v7 =	vor.u32 $0x13, v2  }
0x12e: {  	v12 =	vld.idx.msk [tilespmem:v10+s28+$0x0], $0xffff  }
0x12f: {  	v3 =	vadd.f32 v4, v3;
	v4 =	vmul.f32 v6, v13;
	v6 =	vld.idx.msk [tilespmem:v10+s29+$0x0], $0xffff;
	v10 =	vor.u32 $0x14, v2  }
0x130: {  	v13 =	vld.idx.msk [tilespmem:v9+s28+$0x0], $0xffff  }
0x131: {  	v3 =	vadd.f32 v4, v3;
	v4 =	vmul.f32 v8, v14;
	v8 =	vld.idx.msk [tilespmem:v9+s29+$0x0], $0xffff;
	v9 =	vor.u32 $0x15, v2  }
0x132: {  	v14 =	vld.idx.msk [tilespmem:v7+s28+$0x0], $0xffff  }
0x133: {  	v3 =	vadd.f32 v4, v3;
	v4 =	vmul.f32 v5, v11;
	v5 =	vld.idx.msk [tilespmem:v7+s29+$0x0], $0xffff;
	v7 =	vor.u32 $0x16, v2  }
0x134: {  	v11 =	vld.idx.msk [tilespmem:v10+s28+$0x0], $0xffff  }
0x135: {  	v3 =	vadd.f32 v4, v3;
	v4 =	vmul.f32 v6, v12;
	v6 =	vld.idx.msk [tilespmem:v10+s29+$0x0], $0xffff;
	v10 =	vor.u32 $0x17, v2  }
0x136: {  	v12 =	vld.idx.msk [tilespmem:v9+s28+$0x0], $0xffff  }
0x137: {  	v3 =	vadd.f32 v4, v3;
	v4 =	vmul.f32 v8, v13;
	v8 =	vld.idx.msk [tilespmem:v9+s29+$0x0], $0xffff;
	v9 =	vor.u32 $0x18, v2  }
0x138: {  	v13 =	vld.idx.msk [tilespmem:v7+s28+$0x0], $0xffff  }
0x139: {  	v3 =	vadd.f32 v4, v3;
	v4 =	vmul.f32 v5, v14;
	v5 =	vld.idx.msk [tilespmem:v7+s29+$0x0], $0xffff;
	v7 =	vor.u32 $0x19, v2  }
0x13a: {  	v14 =	vld.idx.msk [tilespmem:v10+s28+$0x0], $0xffff  }
0x13b: {  	v3 =	vadd.f32 v4, v3;
	v4 =	vmul.f32 v6, v11;
	v6 =	vld.idx.msk [tilespmem:v10+s29+$0x0], $0xffff;
	v10 =	vor.u32 $0x1A, v2  }
0x13c: {  	v11 =	vld.idx.msk [tilespmem:v9+s28+$0x0], $0xffff  }
0x13d: {  	v3 =	vadd.f32 v4, v3;
	v4 =	vmul.f32 v8, v12;
	v8 =	vld.idx.msk [tilespmem:v9+s29+$0x0], $0xffff;
	v9 =	vor.u32 $0x1B, v2  }
0x13e: {  	v12 =	vld.idx.msk [tilespmem:v7+s28+$0x0], $0xffff  }
0x13f: {  	v3 =	vadd.f32 v4, v3;
	v4 =	vmul.f32 v5, v13;
	v5 =	vld.idx.msk [tilespmem:v7+s29+$0x0], $0xffff;
	v7 =	vor.u32 $0x1C, v2  }
0x140: {  	v13 =	vld.idx.msk [tilespmem:v10+s28+$0x0], $0xffff  }
0x141: {  	v3 =	vadd.f32 v4, v3;
	v4 =	vmul.f32 v6, v14;
	v6 =	vld.idx.msk [tilespmem:v10+s29+$0x0], $0xffff;
	v10 =	vor.u32 $0x1D, v2  }
0x142: {  	v14 =	vld.idx.msk [tilespmem:v9+s28+$0x0], $0xffff  }
0x143: {  	v3 =	vadd.f32 v4, v3;
	v4 =	vmul.f32 v8, v11;
	v8 =	vld.idx.msk [tilespmem:v9+s29+$0x0], $0xffff;
	v9 =	vor.u32 $0x1E, v2  }
0x144: {  	v11 =	vld.idx.msk [tilespmem:v7+s28+$0x0], $0xffff  }
0x145: {  	v2 =	vor.u32 $0x1F, v2;
	v3 =	vadd.f32 v4, v3;
	v4 =	vmul.f32 v5, v12;
	v5 =	vld.idx.msk [tilespmem:v7+s29+$0x0], $0xffff  }
0x146: {  	v7 =	vld.idx.msk [tilespmem:v10+s28+$0x0], $0xffff  }
0x147: {  	v3 =	vadd.f32 v4, v3;
	v4 =	vmul.f32 v6, v13;
	v6 =	vld.idx.msk [tilespmem:v10+s29+$0x0], $0xffff  }
0x148: {  	v10 =	vld.idx.msk [tilespmem:v9+s28+$0x0], $0xffff  }
0x149: {  	v3 =	vadd.f32 v4, v3;
	v4 =	vmul.f32 v8, v14;
	v8 =	vld.idx.msk [tilespmem:v9+s29+$0x0], $0xffff  }
0x14a: {  	v9 =	vld.idx.msk [tilespmem:v2+s28+$0x0], $0xffff  }
0x14b: {  	v3 =	vadd.f32 v4, v3;
	v4 =	vmul.f32 v5, v11;
	v5 =	vld.idx.msk [tilespmem:v2+s29+$0x0], $0xffff;
	_ =	sdelay $0x1  }
0x14c: {  	v2 =	vadd.f32 v4, v3;
	v3 =	vmul.f32 v6, v7  }
.Ltmp0:
0x14d: {  	v4 =	vmov s8;
	(pc) =	sbr.rel @p0 .LBB2_2-.Ltmp0, $4  }
0x14e: {  	v4 =	vshll.u32 v4, $0x5;
	v7 =	vmul.f32 v8, v10;
	v6 =	vadd.f32 v3, v2  }
0x14f: {  	v2 =	vor.u32 v0, v4  }
0x150: {  	v3 =	vor.u32 $0x1, v2;
	v5 =	vmul.f32 v5, v9;
	v4 =	vadd.f32 v7, v6  }
0x151: {  	s8 =	sadd.s32 $0x10, s8  }
0x152: {  	_ = 	snop  }
0x153: {  	v4 =	vadd.f32 v5, v4  }
0x154: {  	s7 =	sadd.s32 $0x10, s7  }
0x155: {  	[tilespmem:s7+$0x0] =	vst v4  }
0x156: {  	s8 =	sadd.s32 $0x10, s30;
	v4 =	vld.idx.msk [tilespmem:v2+s28+$0x0], $0xffff  }
0x157: {  	v29 =	vor.u32 $0x2, v2;
	v6 =	vld [tilespmem:s8+$0x0]  }
0x158: {  	s31 =	sadd.s32 $0x10, s31;
	v7 =	vld.idx.msk [tilespmem:v2+s29+$0x0], $0xffff  }
0x159: {  	v8 =	vor.u32 $0x3, v2;
	v9 =	vld [tilespmem:s31+$0x0]  }
0x15a: {  	v10 =	vld.idx.msk [tilespmem:v3+s28+$0x0], $0xffff  }
0x15b: {  	v11 =	vor.u32 $0x4, v2;
	v3 =	vld.idx.msk [tilespmem:v3+s29+$0x0], $0xffff  }
0x15c: {  	v12 =	vld.idx.msk [tilespmem:v29+s28+$0x0], $0xffff;
	v1 =	vadd.f32 v6, v1  }
0x15d: {  	v30 =	vor.u32 $0x5, v2;
	v5 =	vld.idx.msk [tilespmem:v29+s29+$0x0], $0xffff  }
0x15e: {  	v13 =	vld.idx.msk [tilespmem:v8+s28+$0x0], $0xffff;
	v4 =	vmul.f32 v7, v4;
	v1 =	vadd.f32 v9, v1  }
0x15f: {  	v32 =	vor.u32 $0x6, v2;
	v31 =	vld.idx.msk [tilespmem:v8+s29+$0x0], $0xffff  }
0x160: {  	v33 =	vld.idx.msk [tilespmem:v11+s28+$0x0], $0xffff;
	v3 =	vmul.f32 v3, v10;
	v1 =	vadd.f32 v4, v1  }
0x161: {  	v35 =	vor.u32 $0x7, v2;
	v34 =	vld.idx.msk [tilespmem:v11+s29+$0x0], $0xffff  }
0x162: {  	v36 =	vld.idx.msk [tilespmem:v30+s28+$0x0], $0xffff;
	v1 =	vadd.f32 v3, v1;
	v3 =	vmul.f32 v5, v12  }
0x163: {  	v38 =	vor.u32 $0x8, v2;
	v37 =	vld.idx.msk [tilespmem:v30+s29+$0x0], $0xffff  }
0x164: {  	v39 =	vld.idx.msk [tilespmem:v32+s28+$0x0], $0xffff;
	v1 =	vadd.f32 v3, v1;
	v3 =	vmul.f32 v31, v13  }
0x165: {  	v41 =	vor.u32 $0x9, v2;
	v40 =	vld.idx.msk [tilespmem:v32+s29+$0x0], $0xffff  }
0x166: {  	v42 =	vld.idx.msk [tilespmem:v35+s28+$0x0], $0xffff;
	v1 =	vadd.f32 v3, v1;
	v3 =	vmul.f32 v34, v33  }
0x167: {  	v44 =	vor.u32 $0xA, v2;
	v43 =	vld.idx.msk [tilespmem:v35+s29+$0x0], $0xffff  }
0x168: {  	v45 =	vld.idx.msk [tilespmem:v38+s28+$0x0], $0xffff;
	v1 =	vadd.f32 v3, v1;
	v3 =	vmul.f32 v37, v36  }
0x169: {  	v47 =	vor.u32 $0xB, v2;
	v46 =	vld.idx.msk [tilespmem:v38+s29+$0x0], $0xffff  }
0x16a: {  	v48 =	vld.idx.msk [tilespmem:v41+s28+$0x0], $0xffff;
	v1 =	vadd.f32 v3, v1;
	v3 =	vmul.f32 v40, v39  }
0x16b: {  	v50 =	vor.u32 $0xC, v2;
	v49 =	vld.idx.msk [tilespmem:v41+s29+$0x0], $0xffff  }
0x16c: {  	v51 =	vld.idx.msk [tilespmem:v44+s28+$0x0], $0xffff;
	v1 =	vadd.f32 v3, v1;
	v3 =	vmul.f32 v43, v42  }
0x16d: {  	v53 =	vor.u32 $0xD, v2;
	v52 =	vld.idx.msk [tilespmem:v44+s29+$0x0], $0xffff  }
0x16e: {  	v54 =	vld.idx.msk [tilespmem:v47+s28+$0x0], $0xffff;
	v1 =	vadd.f32 v3, v1;
	v3 =	vmul.f32 v46, v45  }
0x16f: {  	v56 =	vor.u32 $0xE, v2;
	v55 =	vld.idx.msk [tilespmem:v47+s29+$0x0], $0xffff  }
0x170: {  	v57 =	vld.idx.msk [tilespmem:v50+s28+$0x0], $0xffff;
	v1 =	vadd.f32 v3, v1;
	v3 =	vmul.f32 v49, v48  }
0x171: {  	v59 =	vor.u32 $0xF, v2;
	v58 =	vld.idx.msk [tilespmem:v50+s29+$0x0], $0xffff  }
0x172: {  	v60 =	vld.idx.msk [tilespmem:v53+s28+$0x0], $0xffff;
	v1 =	vadd.f32 v3, v1;
	v3 =	vmul.f32 v52, v51  }
0x173: {  	v62 =	vor.u32 $0x10, v2;
	v61 =	vld.idx.msk [tilespmem:v53+s29+$0x0], $0xffff  }
0x174: {  	v63 =	vld.idx.msk [tilespmem:v56+s28+$0x0], $0xffff;
	v1 =	vadd.f32 v3, v1;
	v3 =	vmul.f32 v55, v54  }
0x175: {  	v17 =	vor.u32 $0x11, v2;
	v16 =	vld.idx.msk [tilespmem:v56+s29+$0x0], $0xffff  }
0x176: {  	v18 =	vld.idx.msk [tilespmem:v59+s28+$0x0], $0xffff;
	v1 =	vadd.f32 v3, v1;
	v3 =	vmul.f32 v58, v57  }
0x177: {  	v20 =	vor.u32 $0x12, v2;
	v19 =	vld.idx.msk [tilespmem:v59+s29+$0x0], $0xffff  }
0x178: {  	v21 =	vld.idx.msk [tilespmem:v62+s28+$0x0], $0xffff;
	v1 =	vadd.f32 v3, v1;
	v3 =	vmul.f32 v61, v60  }
0x179: {  	v23 =	vor.u32 $0x13, v2;
	v22 =	vld.idx.msk [tilespmem:v62+s29+$0x0], $0xffff  }
0x17a: {  	v24 =	vld.idx.msk [tilespmem:v17+s28+$0x0], $0xffff;
	v1 =	vadd.f32 v3, v1;
	v3 =	vmul.f32 v16, v63  }
0x17b: {  	v26 =	vor.u32 $0x14, v2;
	v25 =	vld.idx.msk [tilespmem:v17+s29+$0x0], $0xffff  }
0x17c: {  	v27 =	vld.idx.msk [tilespmem:v20+s28+$0x0], $0xffff;
	v1 =	vadd.f32 v3, v1;
	v3 =	vmul.f32 v19, v18  }
0x17d: {  	v28 =	vld.idx.msk [tilespmem:v20+s29+$0x0], $0xffff;
	v29 =	vor.u32 $0x15, v2  }
0x17e: {  	v30 =	vld.idx.msk [tilespmem:v23+s28+$0x0], $0xffff;
	v1 =	vadd.f32 v3, v1;
	v3 =	vmul.f32 v22, v21  }
0x17f: {  	v32 =	vor.u32 $0x16, v2;
	v31 =	vld.idx.msk [tilespmem:v23+s29+$0x0], $0xffff  }
0x180: {  	v33 =	vld.idx.msk [tilespmem:v26+s28+$0x0], $0xffff;
	v1 =	vadd.f32 v3, v1;
	v3 =	vmul.f32 v25, v24  }
0x181: {  	v35 =	vor.u32 $0x17, v2;
	v34 =	vld.idx.msk [tilespmem:v26+s29+$0x0], $0xffff  }
0x182: {  	v36 =	vld.idx.msk [tilespmem:v29+s28+$0x0], $0xffff;
	v1 =	vadd.f32 v3, v1;
	v3 =	vmul.f32 v28, v27  }
0x183: {  	v38 =	vor.u32 $0x18, v2;
	v37 =	vld.idx.msk [tilespmem:v29+s29+$0x0], $0xffff  }
0x184: {  	v39 =	vld.idx.msk [tilespmem:v32+s28+$0x0], $0xffff;
	v1 =	vadd.f32 v3, v1;
	v3 =	vmul.f32 v31, v30  }
0x185: {  	v41 =	vor.u32 $0x19, v2;
	v40 =	vld.idx.msk [tilespmem:v32+s29+$0x0], $0xffff  }
0x186: {  	v42 =	vld.idx.msk [tilespmem:v35+s28+$0x0], $0xffff;
	v1 =	vadd.f32 v3, v1;
	v3 =	vmul.f32 v34, v33  }
0x187: {  	v44 =	vor.u32 $0x1A, v2;
	v43 =	vld.idx.msk [tilespmem:v35+s29+$0x0], $0xffff  }
0x188: {  	v45 =	vld.idx.msk [tilespmem:v38+s28+$0x0], $0xffff;
	v1 =	vadd.f32 v3, v1;
	v3 =	vmul.f32 v37, v36  }
0x189: {  	v47 =	vor.u32 $0x1B, v2;
	v46 =	vld.idx.msk [tilespmem:v38+s29+$0x0], $0xffff  }
0x18a: {  	v48 =	vld.idx.msk [tilespmem:v41+s28+$0x0], $0xffff;
	v1 =	vadd.f32 v3, v1;
	v3 =	vmul.f32 v40, v39  }
0x18b: {  	v50 =	vor.u32 $0x1C, v2;
	v49 =	vld.idx.msk [tilespmem:v41+s29+$0x0], $0xffff  }
0x18c: {  	v51 =	vld.idx.msk [tilespmem:v44+s28+$0x0], $0xffff;
	v1 =	vadd.f32 v3, v1;
	v3 =	vmul.f32 v43, v42  }
0x18d: {  	v53 =	vor.u32 $0x1D, v2;
	v52 =	vld.idx.msk [tilespmem:v44+s29+$0x0], $0xffff  }
0x18e: {  	v54 =	vld.idx.msk [tilespmem:v47+s28+$0x0], $0xffff;
	v1 =	vadd.f32 v3, v1;
	v3 =	vmul.f32 v46, v45  }
0x18f: {  	v56 =	vor.u32 $0x1E, v2;
	v55 =	vld.idx.msk [tilespmem:v47+s29+$0x0], $0xffff  }
0x190: {  	v57 =	vld.idx.msk [tilespmem:v50+s28+$0x0], $0xffff;
	v1 =	vadd.f32 v3, v1;
	v3 =	vmul.f32 v49, v48  }
0x191: {  	v2 =	vor.u32 $0x1F, v2;
	v58 =	vld.idx.msk [tilespmem:v50+s29+$0x0], $0xffff  }
0x192: {  	v59 =	vld.idx.msk [tilespmem:v53+s28+$0x0], $0xffff;
	v1 =	vadd.f32 v3, v1;
	v3 =	vmul.f32 v52, v51  }
0x193: {  	v60 =	vld.idx.msk [tilespmem:v53+s29+$0x0], $0xffff  }
0x194: {  	v62 =	vld.idx.msk [tilespmem:v56+s29+$0x0], $0xffff;
	v1 =	vadd.f32 v3, v1;
	v3 =	vmul.f32 v55, v54  }
0x195: {  	v61 =	vld.idx.msk [tilespmem:v56+s28+$0x0], $0xffff  }
0x196: {  	v63 =	vld.idx.msk [tilespmem:v2+s28+$0x0], $0xffff;
	v1 =	vadd.f32 v3, v1;
	v3 =	vmul.f32 v58, v57  }
0x197: {  	v2 =	vld.idx.msk [tilespmem:v2+s29+$0x0], $0xffff  }
0x198: {  	v1 =	vadd.f32 v3, v1;
	v3 =	vmul.f32 v60, v59;
	_ =	sdelay $0x1  }
0x199: {  	v1 =	vadd.f32 v3, v1;
	v3 =	vmul.f32 v62, v61;
	_ =	sdelay $0x1  }
0x19a: {  	v2 =	vmul.f32 v2, v63;
	v1 =	vadd.f32 v3, v1;
	_ =	sdelay $0x1  }
0x19b: {  	s26 =	sadd.s32 $0x1, s26;
	v1 =	vadd.f32 v2, v1  }
0x19c: {  	p0 =	sne.s32 s26, s17;
	s7 =	sadd.s32 $0x10, s7  }
.Ltmp1:
0x19d: {  	[tilespmem:s7+$0x0] =	vst v1;
	(pc) =	sbr.rel @p0 .LBB2_1-.Ltmp1, $4  }
0x19e: {  	[hbm4b:s16+s2] =	stream.linear.scatter [tilespmem:s3], [sflag:$0x2], $0x200, $0x38;
	[tilespmem:$0x8A80] =	vst v63  }
0x19f: {  	_ =	swait.ge [sflag:s18], $0x200  }
0x1a0: {  	[sflag:s18] =	ssyncset.done $0x0  }
0x1a1: {  	[sflag:s18] =	ssyncadd.s32 $0xFFFFFE00  }
0x1a2: {  	_ =	sfence.sel $0x180000  }
0x1a3: {  	[bflag:$0x0] =	sbarrier.arrive $0xFFFF  }
0x1a4: {  	_ =	strace $0x90000047  }
0x1a5: {  	s0 =	stileid.u32;
	[bflag:$0x2] =	sbarrier.arrive $0xFFFF  }
0x1a6: {  	p0 =	sne.s32 s0, $0x0;
	s0 =	rddreg [dreg:$0x4]  }
0x1a7: {  	s0 =	sadd.s32 @!p0 $0x100000, s0  }
0x1a8: {  	[sflag:s0] =	ssyncadd.tile.s32 @!p0 $0x1;
	_ =	shalt  }
.Lfunc_end2:
_tile_overlayer_lowered:
.L_overlay_start_2:
0x1a9: {  	(tag) =	ssettag $0x2  }
0x1aa: {  	s0 =	rddreg [dreg:$0x0];
	s2 =	stileid.u32  }
0x1ab: {  	s1 =	rddreg [dreg:$0x1];
	p0 =	sne.s32 s2, $0x0  }
0x1ac: {  	s3 =	rddreg [dreg:$0x2];
	[bflag:$0x3] =	sbarrier.arrive $0xFFFF;
	s2 =	simm.s32 @!p0 $0x1C02  }
0x1ad: {  	[timem:s3], [sflag:s2] =	dma.local @!p0 [hbm:s0], s1  }
0x1ae: {  	s0 =	simm.s32 @!p0 $0x2  }
0x1af: {  	_ =	swait.ge @!p0 [sflag:s0], s1  }
0x1b0: {  	s1 =	ssub.s32 @!p0 $0x0, s1;
	[sflag:s0] =	ssyncset.done @!p0 $0x0  }
0x1b1: {  	[sflag:s0] =	ssyncadd.s32 @!p0 s1  }
0x1b2: {  	[bflag:$0x3] =	sbarrier.arrive $0xFFFF  }
0x1b3: {  	_ =	shalt  }

</sc_bundles>
